<compile_context>
chip_gen: v7x
topology: tpu7x:2x2x1
jax: 0.10.2.dev20260603
libtpu: 0.0.44.dev20260713+nightly
codegen_flags: <defaults>
</compile_context>

<pallas_src>
import functools

import jax
import jax.numpy as jnp
from jax import lax
from jax.experimental import pallas as pl
from jax.experimental.pallas import tpu as pltpu
from jax.experimental.pallas import tpu_sc as plsc

_LANES = 128
_K = 48



def _sc_mean(emb128, inT, B, L, NW, BPW):
    IPW = BPW * L

    mesh = plsc.VectorSubcoreMesh(core_axis_name="c", subcore_axis_name="s")

    @functools.partial(
        pl.kernel,
        out_type=jax.ShapeDtypeStruct((B, _K), jnp.float32),
        mesh=mesh,
        scratch_types=[
            pltpu.VMEM((L * B,), jnp.int32),
            pltpu.VMEM((IPW, _LANES), jnp.float32),
            pltpu.VMEM((BPW, _K), jnp.float32),
            pltpu.SemaphoreType.DMA,
            pltpu.SemaphoreType.DMA,
        ],
    )
    def run(emb_hbm, in_hbm, out_hbm, iv, rows_v, acc_v, sem, sem2):
        wid = lax.axis_index("s") * 2 + lax.axis_index("c")
        base = wid * BPW
        stages = [
            pltpu.async_copy(in_hbm.at[j], iv.at[pl.ds(j * B, B)], sem2)
            for j in range(L)
        ]
        for s in stages:
            s.wait()
        copies = [
            pltpu.async_copy(emb_hbm.at[iv.at[pl.ds(j * B + base, BPW)]],
                             rows_v.at[pl.ds(j * BPW, BPW)], sem)
            for j in range(L)
        ]
        for c in copies:
            c.wait()

        inv_l = 1.0 / L

        def outer(bi, carry):
            a0 = rows_v[bi, pl.ds(0, 16)]
            a1 = rows_v[bi, pl.ds(16, 16)]
            for j in range(1, L):
                r = j * BPW + bi
                a0 = a0 + rows_v[r, pl.ds(0, 16)]
                a1 = a1 + rows_v[r, pl.ds(16, 16)]
            acc_v[bi, pl.ds(0, 16)] = a0 * inv_l
            acc_v[bi, pl.ds(16, 16)] = a1 * inv_l
            return carry

        lax.fori_loop(0, BPW, outer, 0)
        pltpu.sync_copy(acc_v, out_hbm.at[pl.ds(base, BPW)])

    return run(emb128, inT)



def _project_t(wtb, means, E, V, B, VB):

    def body(w_ref, m_ref, o_ref):
        m = m_ref[...]
        lane = lax.broadcasted_iota(jnp.int32, (B, _K), 1)
        m = jnp.where(lane == E, 1.0, jnp.where(lane > E, 0.0, m))
        o_ref[...] = lax.dot_general(
            w_ref[...], m,
            (((0,), (1,)), ((), ())),
            preferred_element_type=jnp.float32,
        )

    return pl.pallas_call(
        body,
        grid=(pl.cdiv(V, VB),),
        in_specs=[
            pl.BlockSpec((_K, VB), lambda j: (0, j)),
            pl.BlockSpec((B, _K), lambda j: (0, 0)),
        ],
        out_specs=pl.BlockSpec((VB, B), lambda j: (j, 0)),
        out_shape=jax.ShapeDtypeStruct((V, B), jnp.float32),
    )(wtb, means)


def kernel(inputs, emb, W, b):
    B, S = inputs.shape
    V, E = emb.shape
    L = S - 1
    NW = 32
    BPW = B // NW

    emb128 = jnp.pad(emb, ((0, 0), (0, _LANES - E)))
    inT = inputs.T.astype(jnp.int32)
    means = _sc_mean(emb128, inT, B, L, NW, BPW)
    wtb = jnp.concatenate(
        [W.T, b[None, :], jnp.zeros((_K - E - 1, V), jnp.float32)], axis=0
    )
    ot = _project_t(wtb, means, E, V, B, VB=3072)
    return ot.T

# --- scband reference (transcript-rebuilt; emitter-appended) ---
"""Pipeline reference for scband-cbow-74199855006180 (READ-ONLY COPY).

The authoritative reference and input builder live on the scoring server;
editing this copy changes nothing except your own understanding.
"""

import jax, jax.numpy as jnp
import numpy as np

VOCAB = 100000
EMBED = 32
BATCH = 1024
SEQ = 21


def setup_inputs(seed: int = 0) -> dict:
    key = jax.random.key(seed)
    k1, k2, k3, k4 = jax.random.split(key, 4)
    inputs = jax.random.randint(k1, (BATCH, SEQ), 0, VOCAB, dtype=jnp.int64 if jax.config.jax_enable_x64 else jnp.int32).astype(jnp.int32)
    emb = jax.random.normal(k2, (VOCAB, EMBED), dtype=jnp.float32)
    W = jax.random.normal(k3, (VOCAB, EMBED), dtype=jnp.float32) * (1.0 / np.sqrt(EMBED))
    b = jax.random.normal(k4, (VOCAB,), dtype=jnp.float32) * 0.01
    return {"inputs": inputs, "emb": emb, "W": W, "b": b}


def reference(inputs, emb, W, b):
    # CBOW forward: drop last column (target), embed context, mean-pool, project to vocab
    context_ids = inputs[:, :-1]                      # [B, L-1]
    embedded = jnp.take(emb, context_ids, axis=0)     # [B, L-1, E] gather
    context_mean = jnp.mean(embedded, axis=1)         # [B, E]
    out = context_mean @ W.T + b                      # [B, V]
    return out

if __name__ == "__main__":
    import jax
    _d = setup_inputs()
    print(jax.jit(kernel)(*tuple(_d.values())))

</pallas_src>

<mosaic_0001>
#map = affine_map<(d0, d1) -> (0, 0)>
module attributes {stable_mosaic.version = 14 : i64} {
  func.func @run(%arg0: i32, %arg1: i32, %arg2: memref<100000x128xf32, #tpu.memory_space<hbm>>, %arg3: memref<21x1024xi32, #tpu.memory_space<hbm>>, %arg4: memref<1024x48xf32, #tpu.memory_space<hbm>>, %arg5: memref<20480xi32, #tpu.memory_space<vmem>>, %arg6: memref<640x128xf32, #tpu.memory_space<vmem>>, %arg7: memref<32x48xf32, #tpu.memory_space<vmem>>, %arg8: memref<!tpu.dma_semaphore, #tpu.memory_space<semaphore_mem>>, %arg9: memref<!tpu.dma_semaphore, #tpu.memory_space<semaphore_mem>>) attributes {dimension_semantics = [#tpu.dimension_semantics<core_parallel>, #tpu.dimension_semantics<subcore_parallel>], iteration_bounds = array<i64: 2, 16>, scalar_prefetch = 0 : i64, scratch_operands = 5 : i64, tpu.core_type = #tpu.core_type<sc_vector_subcore>, window_params = [{transform_indices = #map}, {transform_indices = #map}, {transform_indices = #map}]} {
    %mul3A = arith.constant 2 : i32
    %mul3A_0 = arith.muli %arg1, %mul3A : i32
    %add3A = arith.addi %mul3A_0, %arg0 : i32
    %mul3A_1 = arith.constant 32 : i32
    %mul3A_2 = arith.muli %add3A, %mul3A_1 : i32
    %dma_start3A = arith.constant 0 : i32
    %dma_start3A_3 = arith.constant 0 : i32
    %dma_start3A_4 = tpu.memref_slice %arg5[%dma_start3A_3] : memref<20480xi32, #tpu.memory_space<vmem>> -> memref<1024xi32, #tpu.memory_space<vmem>>
    %dma_start3A_5 = arith.constant 0 : i32
    %dma_start3A_6 = tpu.memref_slice %arg3[%dma_start3A, %dma_start3A_5] : memref<21x1024xi32, #tpu.memory_space<hbm>> -> memref<1x1024xi32, #tpu.memory_space<hbm>>
    %dma_start3A_7 = tpu.memref_squeeze %dma_start3A_6 : memref<1x1024xi32, #tpu.memory_space<hbm>> -> memref<1024xi32, #tpu.memory_space<hbm>>
    %dma_start3A_8 = arith.constant 0 : i32
    %dma_start3A_9 = tpu.memref_slice %arg5[%dma_start3A_8] : memref<20480xi32, #tpu.memory_space<vmem>> -> memref<1024xi32, #tpu.memory_space<vmem>>
    %dma_start3A_10 = arith.constant 0 : i32
    %dma_start3A_11 = tpu.memref_slice %arg3[%dma_start3A, %dma_start3A_10] : memref<21x1024xi32, #tpu.memory_space<hbm>> -> memref<1x1024xi32, #tpu.memory_space<hbm>>
    %dma_start3A_12 = tpu.memref_squeeze %dma_start3A_11 : memref<1x1024xi32, #tpu.memory_space<hbm>> -> memref<1024xi32, #tpu.memory_space<hbm>>
    tpu.enqueue_dma source(%dma_start3A_12 : memref<1024xi32, #tpu.memory_space<hbm>>) target(%dma_start3A_9 : memref<1024xi32, #tpu.memory_space<vmem>>) target_semaphore(%arg9 : memref<!tpu.dma_semaphore, #tpu.memory_space<semaphore_mem>>)
    %dma_start3A_13 = arith.constant 1 : i32
    %dma_start3A_14 = arith.constant 1024 : i32
    %dma_start3A_15 = tpu.memref_slice %arg5[%dma_start3A_14] : memref<20480xi32, #tpu.memory_space<vmem>> -> memref<1024xi32, #tpu.memory_space<vmem>>
    %dma_start3A_16 = arith.constant 0 : i32
    %dma_start3A_17 = tpu.memref_slice %arg3[%dma_start3A_13, %dma_start3A_16] : memref<21x1024xi32, #tpu.memory_space<hbm>> -> memref<1x1024xi32, #tpu.memory_space<hbm>>
    %dma_start3A_18 = tpu.memref_squeeze %dma_start3A_17 : memref<1x1024xi32, #tpu.memory_space<hbm>> -> memref<1024xi32, #tpu.memory_space<hbm>>
    %dma_start3A_19 = arith.constant 1024 : i32
    %dma_start3A_20 = tpu.memref_slice %arg5[%dma_start3A_19] : memref<20480xi32, #tpu.memory_space<vmem>> -> memref<1024xi32, #tpu.memory_space<vmem>>
    %dma_start3A_21 = arith.constant 0 : i32
    %dma_start3A_22 = tpu.memref_slice %arg3[%dma_start3A_13, %dma_start3A_21] : memref<21x1024xi32, #tpu.memory_space<hbm>> -> memref<1x1024xi32, #tpu.memory_space<hbm>>
    %dma_start3A_23 = tpu.memref_squeeze %dma_start3A_22 : memref<1x1024xi32, #tpu.memory_space<hbm>> -> memref<1024xi32, #tpu.memory_space<hbm>>
    tpu.enqueue_dma source(%dma_start3A_23 : memref<1024xi32, #tpu.memory_space<hbm>>) target(%dma_start3A_20 : memref<1024xi32, #tpu.memory_space<vmem>>) target_semaphore(%arg9 : memref<!tpu.dma_semaphore, #tpu.memory_space<semaphore_mem>>)
    %dma_start3A_24 = arith.constant 2 : i32
    %dma_start3A_25 = arith.constant 2048 : i32
    %dma_start3A_26 = tpu.memref_slice %arg5[%dma_start3A_25] : memref<20480xi32, #tpu.memory_space<vmem>> -> memref<1024xi32, #tpu.memory_space<vmem>>
    %dma_start3A_27 = arith.constant 0 : i32
    %dma_start3A_28 = tpu.memref_slice %arg3[%dma_start3A_24, %dma_start3A_27] : memref<21x1024xi32, #tpu.memory_space<hbm>> -> memref<1x1024xi32, #tpu.memory_space<hbm>>
    %dma_start3A_29 = tpu.memref_squeeze %dma_start3A_28 : memref<1x1024xi32, #tpu.memory_space<hbm>> -> memref<1024xi32, #tpu.memory_space<hbm>>
    %dma_start3A_30 = arith.constant 2048 : i32
    %dma_start3A_31 = tpu.memref_slice %arg5[%dma_start3A_30] : memref<20480xi32, #tpu.memory_space<vmem>> -> memref<1024xi32, #tpu.memory_space<vmem>>
    %dma_start3A_32 = arith.constant 0 : i32
    %dma_start3A_33 = tpu.memref_slice %arg3[%dma_start3A_24, %dma_start3A_32] : memref<21x1024xi32, #tpu.memory_space<hbm>> -> memref<1x1024xi32, #tpu.memory_space<hbm>>
    %dma_start3A_34 = tpu.memref_squeeze %dma_start3A_33 : memref<1x1024xi32, #tpu.memory_space<hbm>> -> memref<1024xi32, #tpu.memory_space<hbm>>
    tpu.enqueue_dma source(%dma_start3A_34 : memref<1024xi32, #tpu.memory_space<hbm>>) target(%dma_start3A_31 : memref<1024xi32, #tpu.memory_space<vmem>>) target_semaphore(%arg9 : memref<!tpu.dma_semaphore, #tpu.memory_space<semaphore_mem>>)
    %dma_start3A_35 = arith.constant 3 : i32
    %dma_start3A_36 = arith.constant 3072 : i32
    %dma_start3A_37 = tpu.memref_slice %arg5[%dma_start3A_36] : memref<20480xi32, #tpu.memory_space<vmem>> -> memref<1024xi32, #tpu.memory_space<vmem>>
    %dma_start3A_38 = arith.constant 0 : i32
    %dma_start3A_39 = tpu.memref_slice %arg3[%dma_start3A_35, %dma_start3A_38] : memref<21x1024xi32, #tpu.memory_space<hbm>> -> memref<1x1024xi32, #tpu.memory_space<hbm>>
    %dma_start3A_40 = tpu.memref_squeeze %dma_start3A_39 : memref<1x1024xi32, #tpu.memory_space<hbm>> -> memref<1024xi32, #tpu.memory_space<hbm>>
    %dma_start3A_41 = arith.constant 3072 : i32
    %dma_start3A_42 = tpu.memref_slice %arg5[%dma_start3A_41] : memref<20480xi32, #tpu.memory_space<vmem>> -> memref<1024xi32, #tpu.memory_space<vmem>>
    %dma_start3A_43 = arith.constant 0 : i32
    %dma_start3A_44 = tpu.memref_slice %arg3[%dma_start3A_35, %dma_start3A_43] : memref<21x1024xi32, #tpu.memory_space<hbm>> -> memref<1x1024xi32, #tpu.memory_space<hbm>>
    %dma_start3A_45 = tpu.memref_squeeze %dma_start3A_44 : memref<1x1024xi32, #tpu.memory_space<hbm>> -> memref<1024xi32, #tpu.memory_space<hbm>>
    tpu.enqueue_dma source(%dma_start3A_45 : memref<1024xi32, #tpu.memory_space<hbm>>) target(%dma_start3A_42 : memref<1024xi32, #tpu.memory_space<vmem>>) target_semaphore(%arg9 : memref<!tpu.dma_semaphore, #tpu.memory_space<semaphore_mem>>)
    %dma_start3A_46 = arith.constant 4 : i32
    %dma_start3A_47 = arith.constant 4096 : i32
    %dma_start3A_48 = tpu.memref_slice %arg5[%dma_start3A_47] : memref<20480xi32, #tpu.memory_space<vmem>> -> memref<1024xi32, #tpu.memory_space<vmem>>
    %dma_start3A_49 = arith.constant 0 : i32
    %dma_start3A_50 = tpu.memref_slice %arg3[%dma_start3A_46, %dma_start3A_49] : memref<21x1024xi32, #tpu.memory_space<hbm>> -> memref<1x1024xi32, #tpu.memory_space<hbm>>
    %dma_start3A_51 = tpu.memref_squeeze %dma_start3A_50 : memref<1x1024xi32, #tpu.memory_space<hbm>> -> memref<1024xi32, #tpu.memory_space<hbm>>
    %dma_start3A_52 = arith.constant 4096 : i32
    %dma_start3A_53 = tpu.memref_slice %arg5[%dma_start3A_52] : memref<20480xi32, #tpu.memory_space<vmem>> -> memref<1024xi32, #tpu.memory_space<vmem>>
    %dma_start3A_54 = arith.constant 0 : i32
    %dma_start3A_55 = tpu.memref_slice %arg3[%dma_start3A_46, %dma_start3A_54] : memref<21x1024xi32, #tpu.memory_space<hbm>> -> memref<1x1024xi32, #tpu.memory_space<hbm>>
    %dma_start3A_56 = tpu.memref_squeeze %dma_start3A_55 : memref<1x1024xi32, #tpu.memory_space<hbm>> -> memref<1024xi32, #tpu.memory_space<hbm>>
    tpu.enqueue_dma source(%dma_start3A_56 : memref<1024xi32, #tpu.memory_space<hbm>>) target(%dma_start3A_53 : memref<1024xi32, #tpu.memory_space<vmem>>) target_semaphore(%arg9 : memref<!tpu.dma_semaphore, #tpu.memory_space<semaphore_mem>>)
    %dma_start3A_57 = arith.constant 5 : i32
    %dma_start3A_58 = arith.constant 5120 : i32
    %dma_start3A_59 = tpu.memref_slice %arg5[%dma_start3A_58] : memref<20480xi32, #tpu.memory_space<vmem>> -> memref<1024xi32, #tpu.memory_space<vmem>>
    %dma_start3A_60 = arith.constant 0 : i32
    %dma_start3A_61 = tpu.memref_slice %arg3[%dma_start3A_57, %dma_start3A_60] : memref<21x1024xi32, #tpu.memory_space<hbm>> -> memref<1x1024xi32, #tpu.memory_space<hbm>>
    %dma_start3A_62 = tpu.memref_squeeze %dma_start3A_61 : memref<1x1024xi32, #tpu.memory_space<hbm>> -> memref<1024xi32, #tpu.memory_space<hbm>>
    %dma_start3A_63 = arith.constant 5120 : i32
    %dma_start3A_64 = tpu.memref_slice %arg5[%dma_start3A_63] : memref<20480xi32, #tpu.memory_space<vmem>> -> memref<1024xi32, #tpu.memory_space<vmem>>
    %dma_start3A_65 = arith.constant 0 : i32
    %dma_start3A_66 = tpu.memref_slice %arg3[%dma_start3A_57, %dma_start3A_65] : memref<21x1024xi32, #tpu.memory_space<hbm>> -> memref<1x1024xi32, #tpu.memory_space<hbm>>
    %dma_start3A_67 = tpu.memref_squeeze %dma_start3A_66 : memref<1x1024xi32, #tpu.memory_space<hbm>> -> memref<1024xi32, #tpu.memory_space<hbm>>
    tpu.enqueue_dma source(%dma_start3A_67 : memref<1024xi32, #tpu.memory_space<hbm>>) target(%dma_start3A_64 : memref<1024xi32, #tpu.memory_space<vmem>>) target_semaphore(%arg9 : memref<!tpu.dma_semaphore, #tpu.memory_space<semaphore_mem>>)
    %dma_start3A_68 = arith.constant 6 : i32
    %dma_start3A_69 = arith.constant 6144 : i32
    %dma_start3A_70 = tpu.memref_slice %arg5[%dma_start3A_69] : memref<20480xi32, #tpu.memory_space<vmem>> -> memref<1024xi32, #tpu.memory_space<vmem>>
    %dma_start3A_71 = arith.constant 0 : i32
    %dma_start3A_72 = tpu.memref_slice %arg3[%dma_start3A_68, %dma_start3A_71] : memref<21x1024xi32, #tpu.memory_space<hbm>> -> memref<1x1024xi32, #tpu.memory_space<hbm>>
    %dma_start3A_73 = tpu.memref_squeeze %dma_start3A_72 : memref<1x1024xi32, #tpu.memory_space<hbm>> -> memref<1024xi32, #tpu.memory_space<hbm>>
    %dma_start3A_74 = arith.constant 6144 : i32
    %dma_start3A_75 = tpu.memref_slice %arg5[%dma_start3A_74] : memref<20480xi32, #tpu.memory_space<vmem>> -> memref<1024xi32, #tpu.memory_space<vmem>>
    %dma_start3A_76 = arith.constant 0 : i32
    %dma_start3A_77 = tpu.memref_slice %arg3[%dma_start3A_68, %dma_start3A_76] : memref<21x1024xi32, #tpu.memory_space<hbm>> -> memref<1x1024xi32, #tpu.memory_space<hbm>>
    %dma_start3A_78 = tpu.memref_squeeze %dma_start3A_77 : memref<1x1024xi32, #tpu.memory_space<hbm>> -> memref<1024xi32, #tpu.memory_space<hbm>>
    tpu.enqueue_dma source(%dma_start3A_78 : memref<1024xi32, #tpu.memory_space<hbm>>) target(%dma_start3A_75 : memref<1024xi32, #tpu.memory_space<vmem>>) target_semaphore(%arg9 : memref<!tpu.dma_semaphore, #tpu.memory_space<semaphore_mem>>)
    %dma_start3A_79 = arith.constant 7 : i32
    %dma_start3A_80 = arith.constant 7168 : i32
    %dma_start3A_81 = tpu.memref_slice %arg5[%dma_start3A_80] : memref<20480xi32, #tpu.memory_space<vmem>> -> memref<1024xi32, #tpu.memory_space<vmem>>
    %dma_start3A_82 = arith.constant 0 : i32
    %dma_start3A_83 = tpu.memref_slice %arg3[%dma_start3A_79, %dma_start3A_82] : memref<21x1024xi32, #tpu.memory_space<hbm>> -> memref<1x1024xi32, #tpu.memory_space<hbm>>
    %dma_start3A_84 = tpu.memref_squeeze %dma_start3A_83 : memref<1x1024xi32, #tpu.memory_space<hbm>> -> memref<1024xi32, #tpu.memory_space<hbm>>
    %dma_start3A_85 = arith.constant 7168 : i32
    %dma_start3A_86 = tpu.memref_slice %arg5[%dma_start3A_85] : memref<20480xi32, #tpu.memory_space<vmem>> -> memref<1024xi32, #tpu.memory_space<vmem>>
    %dma_start3A_87 = arith.constant 0 : i32
    %dma_start3A_88 = tpu.memref_slice %arg3[%dma_start3A_79, %dma_start3A_87] : memref<21x1024xi32, #tpu.memory_space<hbm>> -> memref<1x1024xi32, #tpu.memory_space<hbm>>
    %dma_start3A_89 = tpu.memref_squeeze %dma_start3A_88 : memref<1x1024xi32, #tpu.memory_space<hbm>> -> memref<1024xi32, #tpu.memory_space<hbm>>
    tpu.enqueue_dma source(%dma_start3A_89 : memref<1024xi32, #tpu.memory_space<hbm>>) target(%dma_start3A_86 : memref<1024xi32, #tpu.memory_space<vmem>>) target_semaphore(%arg9 : memref<!tpu.dma_semaphore, #tpu.memory_space<semaphore_mem>>)
    %dma_start3A_90 = arith.constant 8 : i32
    %dma_start3A_91 = arith.constant 8192 : i32
    %dma_start3A_92 = tpu.memref_slice %arg5[%dma_start3A_91] : memref<20480xi32, #tpu.memory_space<vmem>> -> memref<1024xi32, #tpu.memory_space<vmem>>
    %dma_start3A_93 = arith.constant 0 : i32
    %dma_start3A_94 = tpu.memref_slice %arg3[%dma_start3A_90, %dma_start3A_93] : memref<21x1024xi32, #tpu.memory_space<hbm>> -> memref<1x1024xi32, #tpu.memory_space<hbm>>
    %dma_start3A_95 = tpu.memref_squeeze %dma_start3A_94 : memref<1x1024xi32, #tpu.memory_space<hbm>> -> memref<1024xi32, #tpu.memory_space<hbm>>
    %dma_start3A_96 = arith.constant 8192 : i32
    %dma_start3A_97 = tpu.memref_slice %arg5[%dma_start3A_96] : memref<20480xi32, #tpu.memory_space<vmem>> -> memref<1024xi32, #tpu.memory_space<vmem>>
    %dma_start3A_98 = arith.constant 0 : i32
    %dma_start3A_99 = tpu.memref_slice %arg3[%dma_start3A_90, %dma_start3A_98] : memref<21x1024xi32, #tpu.memory_space<hbm>> -> memref<1x1024xi32, #tpu.memory_space<hbm>>
    %dma_start3A_100 = tpu.memref_squeeze %dma_start3A_99 : memref<1x1024xi32, #tpu.memory_space<hbm>> -> memref<1024xi32, #tpu.memory_space<hbm>>
    tpu.enqueue_dma source(%dma_start3A_100 : memref<1024xi32, #tpu.memory_space<hbm>>) target(%dma_start3A_97 : memref<1024xi32, #tpu.memory_space<vmem>>) target_semaphore(%arg9 : memref<!tpu.dma_semaphore, #tpu.memory_space<semaphore_mem>>)
    %dma_start3A_101 = arith.constant 9 : i32
    %dma_start3A_102 = arith.constant 9216 : i32
    %dma_start3A_103 = tpu.memref_slice %arg5[%dma_start3A_102] : memref<20480xi32, #tpu.memory_space<vmem>> -> memref<1024xi32, #tpu.memory_space<vmem>>
    %dma_start3A_104 = arith.constant 0 : i32
    %dma_start3A_105 = tpu.memref_slice %arg3[%dma_start3A_101, %dma_start3A_104] : memref<21x1024xi32, #tpu.memory_space<hbm>> -> memref<1x1024xi32, #tpu.memory_space<hbm>>
    %dma_start3A_106 = tpu.memref_squeeze %dma_start3A_105 : memref<1x1024xi32, #tpu.memory_space<hbm>> -> memref<1024xi32, #tpu.memory_space<hbm>>
    %dma_start3A_107 = arith.constant 9216 : i32
    %dma_start3A_108 = tpu.memref_slice %arg5[%dma_start3A_107] : memref<20480xi32, #tpu.memory_space<vmem>> -> memref<1024xi32, #tpu.memory_space<vmem>>
    %dma_start3A_109 = arith.constant 0 : i32
    %dma_start3A_110 = tpu.memref_slice %arg3[%dma_start3A_101, %dma_start3A_109] : memref<21x1024xi32, #tpu.memory_space<hbm>> -> memref<1x1024xi32, #tpu.memory_space<hbm>>
    %dma_start3A_111 = tpu.memref_squeeze %dma_start3A_110 : memref<1x1024xi32, #tpu.memory_space<hbm>> -> memref<1024xi32, #tpu.memory_space<hbm>>
    tpu.enqueue_dma source(%dma_start3A_111 : memref<1024xi32, #tpu.memory_space<hbm>>) target(%dma_start3A_108 : memref<1024xi32, #tpu.memory_space<vmem>>) target_semaphore(%arg9 : memref<!tpu.dma_semaphore, #tpu.memory_space<semaphore_mem>>)
    %dma_start3A_112 = arith.constant 10 : i32
    %dma_start3A_113 = arith.constant 10240 : i32
    %dma_start3A_114 = tpu.memref_slice %arg5[%dma_start3A_113] : memref<20480xi32, #tpu.memory_space<vmem>> -> memref<1024xi32, #tpu.memory_space<vmem>>
    %dma_start3A_115 = arith.constant 0 : i32
    %dma_start3A_116 = tpu.memref_slice %arg3[%dma_start3A_112, %dma_start3A_115] : memref<21x1024xi32, #tpu.memory_space<hbm>> -> memref<1x1024xi32, #tpu.memory_space<hbm>>
    %dma_start3A_117 = tpu.memref_squeeze %dma_start3A_116 : memref<1x1024xi32, #tpu.memory_space<hbm>> -> memref<1024xi32, #tpu.memory_space<hbm>>
    %dma_start3A_118 = arith.constant 10240 : i32
    %dma_start3A_119 = tpu.memref_slice %arg5[%dma_start3A_118] : memref<20480xi32, #tpu.memory_space<vmem>> -> memref<1024xi32, #tpu.memory_space<vmem>>
    %dma_start3A_120 = arith.constant 0 : i32
    %dma_start3A_121 = tpu.memref_slice %arg3[%dma_start3A_112, %dma_start3A_120] : memref<21x1024xi32, #tpu.memory_space<hbm>> -> memref<1x1024xi32, #tpu.memory_space<hbm>>
    %dma_start3A_122 = tpu.memref_squeeze %dma_start3A_121 : memref<1x1024xi32, #tpu.memory_space<hbm>> -> memref<1024xi32, #tpu.memory_space<hbm>>
    tpu.enqueue_dma source(%dma_start3A_122 : memref<1024xi32, #tpu.memory_space<hbm>>) target(%dma_start3A_119 : memref<1024xi32, #tpu.memory_space<vmem>>) target_semaphore(%arg9 : memref<!tpu.dma_semaphore, #tpu.memory_space<semaphore_mem>>)
    %dma_start3A_123 = arith.constant 11 : i32
    %dma_start3A_124 = arith.constant 11264 : i32
    %dma_start3A_125 = tpu.memref_slice %arg5[%dma_start3A_124] : memref<20480xi32, #tpu.memory_space<vmem>> -> memref<1024xi32, #tpu.memory_space<vmem>>
    %dma_start3A_126 = arith.constant 0 : i32
    %dma_start3A_127 = tpu.memref_slice %arg3[%dma_start3A_123, %dma_start3A_126] : memref<21x1024xi32, #tpu.memory_space<hbm>> -> memref<1x1024xi32, #tpu.memory_space<hbm>>
    %dma_start3A_128 = tpu.memref_squeeze %dma_start3A_127 : memref<1x1024xi32, #tpu.memory_space<hbm>> -> memref<1024xi32, #tpu.memory_space<hbm>>
    %dma_start3A_129 = arith.constant 11264 : i32
    %dma_start3A_130 = tpu.memref_slice %arg5[%dma_start3A_129] : memref<20480xi32, #tpu.memory_space<vmem>> -> memref<1024xi32, #tpu.memory_space<vmem>>
    %dma_start3A_131 = arith.constant 0 : i32
    %dma_start3A_132 = tpu.memref_slice %arg3[%dma_start3A_123, %dma_start3A_131] : memref<21x1024xi32, #tpu.memory_space<hbm>> -> memref<1x1024xi32, #tpu.memory_space<hbm>>
    %dma_start3A_133 = tpu.memref_squeeze %dma_start3A_132 : memref<1x1024xi32, #tpu.memory_space<hbm>> -> memref<1024xi32, #tpu.memory_space<hbm>>
    tpu.enqueue_dma source(%dma_start3A_133 : memref<1024xi32, #tpu.memory_space<hbm>>) target(%dma_start3A_130 : memref<1024xi32, #tpu.memory_space<vmem>>) target_semaphore(%arg9 : memref<!tpu.dma_semaphore, #tpu.memory_space<semaphore_mem>>)
    %dma_start3A_134 = arith.constant 12 : i32
    %dma_start3A_135 = arith.constant 12288 : i32
    %dma_start3A_136 = tpu.memref_slice %arg5[%dma_start3A_135] : memref<20480xi32, #tpu.memory_space<vmem>> -> memref<1024xi32, #tpu.memory_space<vmem>>
    %dma_start3A_137 = arith.constant 0 : i32
    %dma_start3A_138 = tpu.memref_slice %arg3[%dma_start3A_134, %dma_start3A_137] : memref<21x1024xi32, #tpu.memory_space<hbm>> -> memref<1x1024xi32, #tpu.memory_space<hbm>>
    %dma_start3A_139 = tpu.memref_squeeze %dma_start3A_138 : memref<1x1024xi32, #tpu.memory_space<hbm>> -> memref<1024xi32, #tpu.memory_space<hbm>>
    %dma_start3A_140 = arith.constant 12288 : i32
    %dma_start3A_141 = tpu.memref_slice %arg5[%dma_start3A_140] : memref<20480xi32, #tpu.memory_space<vmem>> -> memref<1024xi32, #tpu.memory_space<vmem>>
    %dma_start3A_142 = arith.constant 0 : i32
    %dma_start3A_143 = tpu.memref_slice %arg3[%dma_start3A_134, %dma_start3A_142] : memref<21x1024xi32, #tpu.memory_space<hbm>> -> memref<1x1024xi32, #tpu.memory_space<hbm>>
    %dma_start3A_144 = tpu.memref_squeeze %dma_start3A_143 : memref<1x1024xi32, #tpu.memory_space<hbm>> -> memref<1024xi32, #tpu.memory_space<hbm>>
    tpu.enqueue_dma source(%dma_start3A_144 : memref<1024xi32, #tpu.memory_space<hbm>>) target(%dma_start3A_141 : memref<1024xi32, #tpu.memory_space<vmem>>) target_semaphore(%arg9 : memref<!tpu.dma_semaphore, #tpu.memory_space<semaphore_mem>>)
    %dma_start3A_145 = arith.constant 13 : i32
    %dma_start3A_146 = arith.constant 13312 : i32
    %dma_start3A_147 = tpu.memref_slice %arg5[%dma_start3A_146] : memref<20480xi32, #tpu.memory_space<vmem>> -> memref<1024xi32, #tpu.memory_space<vmem>>
    %dma_start3A_148 = arith.constant 0 : i32
    %dma_start3A_149 = tpu.memref_slice %arg3[%dma_start3A_145, %dma_start3A_148] : memref<21x1024xi32, #tpu.memory_space<hbm>> -> memref<1x1024xi32, #tpu.memory_space<hbm>>
    %dma_start3A_150 = tpu.memref_squeeze %dma_start3A_149 : memref<1x1024xi32, #tpu.memory_space<hbm>> -> memref<1024xi32, #tpu.memory_space<hbm>>
    %dma_start3A_151 = arith.constant 13312 : i32
    %dma_start3A_152 = tpu.memref_slice %arg5[%dma_start3A_151] : memref<20480xi32, #tpu.memory_space<vmem>> -> memref<1024xi32, #tpu.memory_space<vmem>>
    %dma_start3A_153 = arith.constant 0 : i32
    %dma_start3A_154 = tpu.memref_slice %arg3[%dma_start3A_145, %dma_start3A_153] : memref<21x1024xi32, #tpu.memory_space<hbm>> -> memref<1x1024xi32, #tpu.memory_space<hbm>>
    %dma_start3A_155 = tpu.memref_squeeze %dma_start3A_154 : memref<1x1024xi32, #tpu.memory_space<hbm>> -> memref<1024xi32, #tpu.memory_space<hbm>>
    tpu.enqueue_dma source(%dma_start3A_155 : memref<1024xi32, #tpu.memory_space<hbm>>) target(%dma_start3A_152 : memref<1024xi32, #tpu.memory_space<vmem>>) target_semaphore(%arg9 : memref<!tpu.dma_semaphore, #tpu.memory_space<semaphore_mem>>)
    %dma_start3A_156 = arith.constant 14 : i32
    %dma_start3A_157 = arith.constant 14336 : i32
    %dma_start3A_158 = tpu.memref_slice %arg5[%dma_start3A_157] : memref<20480xi32, #tpu.memory_space<vmem>> -> memref<1024xi32, #tpu.memory_space<vmem>>
    %dma_start3A_159 = arith.constant 0 : i32
    %dma_start3A_160 = tpu.memref_slice %arg3[%dma_start3A_156, %dma_start3A_159] : memref<21x1024xi32, #tpu.memory_space<hbm>> -> memref<1x1024xi32, #tpu.memory_space<hbm>>
    %dma_start3A_161 = tpu.memref_squeeze %dma_start3A_160 : memref<1x1024xi32, #tpu.memory_space<hbm>> -> memref<1024xi32, #tpu.memory_space<hbm>>
    %dma_start3A_162 = arith.constant 14336 : i32
    %dma_start3A_163 = tpu.memref_slice %arg5[%dma_start3A_162] : memref<20480xi32, #tpu.memory_space<vmem>> -> memref<1024xi32, #tpu.memory_space<vmem>>
    %dma_start3A_164 = arith.constant 0 : i32
    %dma_start3A_165 = tpu.memref_slice %arg3[%dma_start3A_156, %dma_start3A_164] : memref<21x1024xi32, #tpu.memory_space<hbm>> -> memref<1x1024xi32, #tpu.memory_space<hbm>>
    %dma_start3A_166 = tpu.memref_squeeze %dma_start3A_165 : memref<1x1024xi32, #tpu.memory_space<hbm>> -> memref<1024xi32, #tpu.memory_space<hbm>>
    tpu.enqueue_dma source(%dma_start3A_166 : memref<1024xi32, #tpu.memory_space<hbm>>) target(%dma_start3A_163 : memref<1024xi32, #tpu.memory_space<vmem>>) target_semaphore(%arg9 : memref<!tpu.dma_semaphore, #tpu.memory_space<semaphore_mem>>)
    %dma_start3A_167 = arith.constant 15 : i32
    %dma_start3A_168 = arith.constant 15360 : i32
    %dma_start3A_169 = tpu.memref_slice %arg5[%dma_start3A_168] : memref<20480xi32, #tpu.memory_space<vmem>> -> memref<1024xi32, #tpu.memory_space<vmem>>
    %dma_start3A_170 = arith.constant 0 : i32
    %dma_start3A_171 = tpu.memref_slice %arg3[%dma_start3A_167, %dma_start3A_170] : memref<21x1024xi32, #tpu.memory_space<hbm>> -> memref<1x1024xi32, #tpu.memory_space<hbm>>
    %dma_start3A_172 = tpu.memref_squeeze %dma_start3A_171 : memref<1x1024xi32, #tpu.memory_space<hbm>> -> memref<1024xi32, #tpu.memory_space<hbm>>
    %dma_start3A_173 = arith.constant 15360 : i32
    %dma_start3A_174 = tpu.memref_slice %arg5[%dma_start3A_173] : memref<20480xi32, #tpu.memory_space<vmem>> -> memref<1024xi32, #tpu.memory_space<vmem>>
    %dma_start3A_175 = arith.constant 0 : i32
    %dma_start3A_176 = tpu.memref_slice %arg3[%dma_start3A_167, %dma_start3A_175] : memref<21x1024xi32, #tpu.memory_space<hbm>> -> memref<1x1024xi32, #tpu.memory_space<hbm>>
    %dma_start3A_177 = tpu.memref_squeeze %dma_start3A_176 : memref<1x1024xi32, #tpu.memory_space<hbm>> -> memref<1024xi32, #tpu.memory_space<hbm>>
    tpu.enqueue_dma source(%dma_start3A_177 : memref<1024xi32, #tpu.memory_space<hbm>>) target(%dma_start3A_174 : memref<1024xi32, #tpu.memory_space<vmem>>) target_semaphore(%arg9 : memref<!tpu.dma_semaphore, #tpu.memory_space<semaphore_mem>>)
    %dma_start3A_178 = arith.constant 16 : i32
    %dma_start3A_179 = arith.constant 16384 : i32
    %dma_start3A_180 = tpu.memref_slice %arg5[%dma_start3A_179] : memref<20480xi32, #tpu.memory_space<vmem>> -> memref<1024xi32, #tpu.memory_space<vmem>>
    %dma_start3A_181 = arith.constant 0 : i32
    %dma_start3A_182 = tpu.memref_slice %arg3[%dma_start3A_178, %dma_start3A_181] : memref<21x1024xi32, #tpu.memory_space<hbm>> -> memref<1x1024xi32, #tpu.memory_space<hbm>>
    %dma_start3A_183 = tpu.memref_squeeze %dma_start3A_182 : memref<1x1024xi32, #tpu.memory_space<hbm>> -> memref<1024xi32, #tpu.memory_space<hbm>>
    %dma_start3A_184 = arith.constant 16384 : i32
    %dma_start3A_185 = tpu.memref_slice %arg5[%dma_start3A_184] : memref<20480xi32, #tpu.memory_space<vmem>> -> memref<1024xi32, #tpu.memory_space<vmem>>
    %dma_start3A_186 = arith.constant 0 : i32
    %dma_start3A_187 = tpu.memref_slice %arg3[%dma_start3A_178, %dma_start3A_186] : memref<21x1024xi32, #tpu.memory_space<hbm>> -> memref<1x1024xi32, #tpu.memory_space<hbm>>
    %dma_start3A_188 = tpu.memref_squeeze %dma_start3A_187 : memref<1x1024xi32, #tpu.memory_space<hbm>> -> memref<1024xi32, #tpu.memory_space<hbm>>
    tpu.enqueue_dma source(%dma_start3A_188 : memref<1024xi32, #tpu.memory_space<hbm>>) target(%dma_start3A_185 : memref<1024xi32, #tpu.memory_space<vmem>>) target_semaphore(%arg9 : memref<!tpu.dma_semaphore, #tpu.memory_space<semaphore_mem>>)
    %dma_start3A_189 = arith.constant 17 : i32
    %dma_start3A_190 = arith.constant 17408 : i32
    %dma_start3A_191 = tpu.memref_slice %arg5[%dma_start3A_190] : memref<20480xi32, #tpu.memory_space<vmem>> -> memref<1024xi32, #tpu.memory_space<vmem>>
    %dma_start3A_192 = arith.constant 0 : i32
    %dma_start3A_193 = tpu.memref_slice %arg3[%dma_start3A_189, %dma_start3A_192] : memref<21x1024xi32, #tpu.memory_space<hbm>> -> memref<1x1024xi32, #tpu.memory_space<hbm>>
    %dma_start3A_194 = tpu.memref_squeeze %dma_start3A_193 : memref<1x1024xi32, #tpu.memory_space<hbm>> -> memref<1024xi32, #tpu.memory_space<hbm>>
    %dma_start3A_195 = arith.constant 17408 : i32
    %dma_start3A_196 = tpu.memref_slice %arg5[%dma_start3A_195] : memref<20480xi32, #tpu.memory_space<vmem>> -> memref<1024xi32, #tpu.memory_space<vmem>>
    %dma_start3A_197 = arith.constant 0 : i32
    %dma_start3A_198 = tpu.memref_slice %arg3[%dma_start3A_189, %dma_start3A_197] : memref<21x1024xi32, #tpu.memory_space<hbm>> -> memref<1x1024xi32, #tpu.memory_space<hbm>>
    %dma_start3A_199 = tpu.memref_squeeze %dma_start3A_198 : memref<1x1024xi32, #tpu.memory_space<hbm>> -> memref<1024xi32, #tpu.memory_space<hbm>>
    tpu.enqueue_dma source(%dma_start3A_199 : memref<1024xi32, #tpu.memory_space<hbm>>) target(%dma_start3A_196 : memref<1024xi32, #tpu.memory_space<vmem>>) target_semaphore(%arg9 : memref<!tpu.dma_semaphore, #tpu.memory_space<semaphore_mem>>)
    %dma_start3A_200 = arith.constant 18 : i32
    %dma_start3A_201 = arith.constant 18432 : i32
    %dma_start3A_202 = tpu.memref_slice %arg5[%dma_start3A_201] : memref<20480xi32, #tpu.memory_space<vmem>> -> memref<1024xi32, #tpu.memory_space<vmem>>
    %dma_start3A_203 = arith.constant 0 : i32
    %dma_start3A_204 = tpu.memref_slice %arg3[%dma_start3A_200, %dma_start3A_203] : memref<21x1024xi32, #tpu.memory_space<hbm>> -> memref<1x1024xi32, #tpu.memory_space<hbm>>
    %dma_start3A_205 = tpu.memref_squeeze %dma_start3A_204 : memref<1x1024xi32, #tpu.memory_space<hbm>> -> memref<1024xi32, #tpu.memory_space<hbm>>
    %dma_start3A_206 = arith.constant 18432 : i32
    %dma_start3A_207 = tpu.memref_slice %arg5[%dma_start3A_206] : memref<20480xi32, #tpu.memory_space<vmem>> -> memref<1024xi32, #tpu.memory_space<vmem>>
    %dma_start3A_208 = arith.constant 0 : i32
    %dma_start3A_209 = tpu.memref_slice %arg3[%dma_start3A_200, %dma_start3A_208] : memref<21x1024xi32, #tpu.memory_space<hbm>> -> memref<1x1024xi32, #tpu.memory_space<hbm>>
    %dma_start3A_210 = tpu.memref_squeeze %dma_start3A_209 : memref<1x1024xi32, #tpu.memory_space<hbm>> -> memref<1024xi32, #tpu.memory_space<hbm>>
    tpu.enqueue_dma source(%dma_start3A_210 : memref<1024xi32, #tpu.memory_space<hbm>>) target(%dma_start3A_207 : memref<1024xi32, #tpu.memory_space<vmem>>) target_semaphore(%arg9 : memref<!tpu.dma_semaphore, #tpu.memory_space<semaphore_mem>>)
    %dma_start3A_211 = arith.constant 19 : i32
    %dma_start3A_212 = arith.constant 19456 : i32
    %dma_start3A_213 = tpu.memref_slice %arg5[%dma_start3A_212] : memref<20480xi32, #tpu.memory_space<vmem>> -> memref<1024xi32, #tpu.memory_space<vmem>>
    %dma_start3A_214 = arith.constant 0 : i32
    %dma_start3A_215 = tpu.memref_slice %arg3[%dma_start3A_211, %dma_start3A_214] : memref<21x1024xi32, #tpu.memory_space<hbm>> -> memref<1x1024xi32, #tpu.memory_space<hbm>>
    %dma_start3A_216 = tpu.memref_squeeze %dma_start3A_215 : memref<1x1024xi32, #tpu.memory_space<hbm>> -> memref<1024xi32, #tpu.memory_space<hbm>>
    %dma_start3A_217 = arith.constant 19456 : i32
    %dma_start3A_218 = tpu.memref_slice %arg5[%dma_start3A_217] : memref<20480xi32, #tpu.memory_space<vmem>> -> memref<1024xi32, #tpu.memory_space<vmem>>
    %dma_start3A_219 = arith.constant 0 : i32
    %dma_start3A_220 = tpu.memref_slice %arg3[%dma_start3A_211, %dma_start3A_219] : memref<21x1024xi32, #tpu.memory_space<hbm>> -> memref<1x1024xi32, #tpu.memory_space<hbm>>
    %dma_start3A_221 = tpu.memref_squeeze %dma_start3A_220 : memref<1x1024xi32, #tpu.memory_space<hbm>> -> memref<1024xi32, #tpu.memory_space<hbm>>
    tpu.enqueue_dma source(%dma_start3A_221 : memref<1024xi32, #tpu.memory_space<hbm>>) target(%dma_start3A_218 : memref<1024xi32, #tpu.memory_space<vmem>>) target_semaphore(%arg9 : memref<!tpu.dma_semaphore, #tpu.memory_space<semaphore_mem>>)
    %dma_wait3A = arith.constant 0 : i32
    %dma_wait3A_222 = arith.constant 0 : i32
    %dma_wait3A_223 = tpu.memref_slice %arg5[%dma_wait3A_222] : memref<20480xi32, #tpu.memory_space<vmem>> -> memref<1024xi32, #tpu.memory_space<vmem>>
    %dma_wait3A_224 = arith.constant 0 : i32
    %dma_wait3A_225 = tpu.memref_slice %arg3[%dma_wait3A, %dma_wait3A_224] : memref<21x1024xi32, #tpu.memory_space<hbm>> -> memref<1x1024xi32, #tpu.memory_space<hbm>>
    %dma_wait3A_226 = tpu.memref_squeeze %dma_wait3A_225 : memref<1x1024xi32, #tpu.memory_space<hbm>> -> memref<1024xi32, #tpu.memory_space<hbm>>
    %dma_wait3A_227 = arith.constant 0 : i32
    %dma_wait3A_228 = tpu.memref_slice %arg5[%dma_wait3A_227] : memref<20480xi32, #tpu.memory_space<vmem>> -> memref<1024xi32, #tpu.memory_space<vmem>>
    %dma_wait3A_229 = arith.constant 0 : i32
    %dma_wait3A_230 = tpu.memref_slice %arg3[%dma_wait3A, %dma_wait3A_229] : memref<21x1024xi32, #tpu.memory_space<hbm>> -> memref<1x1024xi32, #tpu.memory_space<hbm>>
    %dma_wait3A_231 = tpu.memref_squeeze %dma_wait3A_230 : memref<1x1024xi32, #tpu.memory_space<hbm>> -> memref<1024xi32, #tpu.memory_space<hbm>>
    tpu.wait_dma2 semaphore(%arg9 : memref<!tpu.dma_semaphore, #tpu.memory_space<semaphore_mem>>) src(%dma_wait3A_231 : memref<1024xi32, #tpu.memory_space<hbm>>) dst(%dma_wait3A_228 : memref<1024xi32, #tpu.memory_space<vmem>>)
    %dma_wait3A_232 = arith.constant 1 : i32
    %dma_wait3A_233 = arith.constant 1024 : i32
    %dma_wait3A_234 = tpu.memref_slice %arg5[%dma_wait3A_233] : memref<20480xi32, #tpu.memory_space<vmem>> -> memref<1024xi32, #tpu.memory_space<vmem>>
    %dma_wait3A_235 = arith.constant 0 : i32
    %dma_wait3A_236 = tpu.memref_slice %arg3[%dma_wait3A_232, %dma_wait3A_235] : memref<21x1024xi32, #tpu.memory_space<hbm>> -> memref<1x1024xi32, #tpu.memory_space<hbm>>
    %dma_wait3A_237 = tpu.memref_squeeze %dma_wait3A_236 : memref<1x1024xi32, #tpu.memory_space<hbm>> -> memref<1024xi32, #tpu.memory_space<hbm>>
    %dma_wait3A_238 = arith.constant 1024 : i32
    %dma_wait3A_239 = tpu.memref_slice %arg5[%dma_wait3A_238] : memref<20480xi32, #tpu.memory_space<vmem>> -> memref<1024xi32, #tpu.memory_space<vmem>>
    %dma_wait3A_240 = arith.constant 0 : i32
    %dma_wait3A_241 = tpu.memref_slice %arg3[%dma_wait3A_232, %dma_wait3A_240] : memref<21x1024xi32, #tpu.memory_space<hbm>> -> memref<1x1024xi32, #tpu.memory_space<hbm>>
    %dma_wait3A_242 = tpu.memref_squeeze %dma_wait3A_241 : memref<1x1024xi32, #tpu.memory_space<hbm>> -> memref<1024xi32, #tpu.memory_space<hbm>>
    tpu.wait_dma2 semaphore(%arg9 : memref<!tpu.dma_semaphore, #tpu.memory_space<semaphore_mem>>) src(%dma_wait3A_242 : memref<1024xi32, #tpu.memory_space<hbm>>) dst(%dma_wait3A_239 : memref<1024xi32, #tpu.memory_space<vmem>>)
    %dma_wait3A_243 = arith.constant 2 : i32
    %dma_wait3A_244 = arith.constant 2048 : i32
    %dma_wait3A_245 = tpu.memref_slice %arg5[%dma_wait3A_244] : memref<20480xi32, #tpu.memory_space<vmem>> -> memref<1024xi32, #tpu.memory_space<vmem>>
    %dma_wait3A_246 = arith.constant 0 : i32
    %dma_wait3A_247 = tpu.memref_slice %arg3[%dma_wait3A_243, %dma_wait3A_246] : memref<21x1024xi32, #tpu.memory_space<hbm>> -> memref<1x1024xi32, #tpu.memory_space<hbm>>
    %dma_wait3A_248 = tpu.memref_squeeze %dma_wait3A_247 : memref<1x1024xi32, #tpu.memory_space<hbm>> -> memref<1024xi32, #tpu.memory_space<hbm>>
    %dma_wait3A_249 = arith.constant 2048 : i32
    %dma_wait3A_250 = tpu.memref_slice %arg5[%dma_wait3A_249] : memref<20480xi32, #tpu.memory_space<vmem>> -> memref<1024xi32, #tpu.memory_space<vmem>>
    %dma_wait3A_251 = arith.constant 0 : i32
    %dma_wait3A_252 = tpu.memref_slice %arg3[%dma_wait3A_243, %dma_wait3A_251] : memref<21x1024xi32, #tpu.memory_space<hbm>> -> memref<1x1024xi32, #tpu.memory_space<hbm>>
    %dma_wait3A_253 = tpu.memref_squeeze %dma_wait3A_252 : memref<1x1024xi32, #tpu.memory_space<hbm>> -> memref<1024xi32, #tpu.memory_space<hbm>>
    tpu.wait_dma2 semaphore(%arg9 : memref<!tpu.dma_semaphore, #tpu.memory_space<semaphore_mem>>) src(%dma_wait3A_253 : memref<1024xi32, #tpu.memory_space<hbm>>) dst(%dma_wait3A_250 : memref<1024xi32, #tpu.memory_space<vmem>>)
    %dma_wait3A_254 = arith.constant 3 : i32
    %dma_wait3A_255 = arith.constant 3072 : i32
    %dma_wait3A_256 = tpu.memref_slice %arg5[%dma_wait3A_255] : memref<20480xi32, #tpu.memory_space<vmem>> -> memref<1024xi32, #tpu.memory_space<vmem>>
    %dma_wait3A_257 = arith.constant 0 : i32
    %dma_wait3A_258 = tpu.memref_slice %arg3[%dma_wait3A_254, %dma_wait3A_257] : memref<21x1024xi32, #tpu.memory_space<hbm>> -> memref<1x1024xi32, #tpu.memory_space<hbm>>
    %dma_wait3A_259 = tpu.memref_squeeze %dma_wait3A_258 : memref<1x1024xi32, #tpu.memory_space<hbm>> -> memref<1024xi32, #tpu.memory_space<hbm>>
    %dma_wait3A_260 = arith.constant 3072 : i32
    %dma_wait3A_261 = tpu.memref_slice %arg5[%dma_wait3A_260] : memref<20480xi32, #tpu.memory_space<vmem>> -> memref<1024xi32, #tpu.memory_space<vmem>>
    %dma_wait3A_262 = arith.constant 0 : i32
    %dma_wait3A_263 = tpu.memref_slice %arg3[%dma_wait3A_254, %dma_wait3A_262] : memref<21x1024xi32, #tpu.memory_space<hbm>> -> memref<1x1024xi32, #tpu.memory_space<hbm>>
    %dma_wait3A_264 = tpu.memref_squeeze %dma_wait3A_263 : memref<1x1024xi32, #tpu.memory_space<hbm>> -> memref<1024xi32, #tpu.memory_space<hbm>>
    tpu.wait_dma2 semaphore(%arg9 : memref<!tpu.dma_semaphore, #tpu.memory_space<semaphore_mem>>) src(%dma_wait3A_264 : memref<1024xi32, #tpu.memory_space<hbm>>) dst(%dma_wait3A_261 : memref<1024xi32, #tpu.memory_space<vmem>>)
    %dma_wait3A_265 = arith.constant 4 : i32
    %dma_wait3A_266 = arith.constant 4096 : i32
    %dma_wait3A_267 = tpu.memref_slice %arg5[%dma_wait3A_266] : memref<20480xi32, #tpu.memory_space<vmem>> -> memref<1024xi32, #tpu.memory_space<vmem>>
    %dma_wait3A_268 = arith.constant 0 : i32
    %dma_wait3A_269 = tpu.memref_slice %arg3[%dma_wait3A_265, %dma_wait3A_268] : memref<21x1024xi32, #tpu.memory_space<hbm>> -> memref<1x1024xi32, #tpu.memory_space<hbm>>
    %dma_wait3A_270 = tpu.memref_squeeze %dma_wait3A_269 : memref<1x1024xi32, #tpu.memory_space<hbm>> -> memref<1024xi32, #tpu.memory_space<hbm>>
    %dma_wait3A_271 = arith.constant 4096 : i32
    %dma_wait3A_272 = tpu.memref_slice %arg5[%dma_wait3A_271] : memref<20480xi32, #tpu.memory_space<vmem>> -> memref<1024xi32, #tpu.memory_space<vmem>>
    %dma_wait3A_273 = arith.constant 0 : i32
    %dma_wait3A_274 = tpu.memref_slice %arg3[%dma_wait3A_265, %dma_wait3A_273] : memref<21x1024xi32, #tpu.memory_space<hbm>> -> memref<1x1024xi32, #tpu.memory_space<hbm>>
    %dma_wait3A_275 = tpu.memref_squeeze %dma_wait3A_274 : memref<1x1024xi32, #tpu.memory_space<hbm>> -> memref<1024xi32, #tpu.memory_space<hbm>>
    tpu.wait_dma2 semaphore(%arg9 : memref<!tpu.dma_semaphore, #tpu.memory_space<semaphore_mem>>) src(%dma_wait3A_275 : memref<1024xi32, #tpu.memory_space<hbm>>) dst(%dma_wait3A_272 : memref<1024xi32, #tpu.memory_space<vmem>>)
    %dma_wait3A_276 = arith.constant 5 : i32
    %dma_wait3A_277 = arith.constant 5120 : i32
    %dma_wait3A_278 = tpu.memref_slice %arg5[%dma_wait3A_277] : memref<20480xi32, #tpu.memory_space<vmem>> -> memref<1024xi32, #tpu.memory_space<vmem>>
    %dma_wait3A_279 = arith.constant 0 : i32
    %dma_wait3A_280 = tpu.memref_slice %arg3[%dma_wait3A_276, %dma_wait3A_279] : memref<21x1024xi32, #tpu.memory_space<hbm>> -> memref<1x1024xi32, #tpu.memory_space<hbm>>
    %dma_wait3A_281 = tpu.memref_squeeze %dma_wait3A_280 : memref<1x1024xi32, #tpu.memory_space<hbm>> -> memref<1024xi32, #tpu.memory_space<hbm>>
    %dma_wait3A_282 = arith.constant 5120 : i32
    %dma_wait3A_283 = tpu.memref_slice %arg5[%dma_wait3A_282] : memref<20480xi32, #tpu.memory_space<vmem>> -> memref<1024xi32, #tpu.memory_space<vmem>>
    %dma_wait3A_284 = arith.constant 0 : i32
    %dma_wait3A_285 = tpu.memref_slice %arg3[%dma_wait3A_276, %dma_wait3A_284] : memref<21x1024xi32, #tpu.memory_space<hbm>> -> memref<1x1024xi32, #tpu.memory_space<hbm>>
    %dma_wait3A_286 = tpu.memref_squeeze %dma_wait3A_285 : memref<1x1024xi32, #tpu.memory_space<hbm>> -> memref<1024xi32, #tpu.memory_space<hbm>>
    tpu.wait_dma2 semaphore(%arg9 : memref<!tpu.dma_semaphore, #tpu.memory_space<semaphore_mem>>) src(%dma_wait3A_286 : memref<1024xi32, #tpu.memory_space<hbm>>) dst(%dma_wait3A_283 : memref<1024xi32, #tpu.memory_space<vmem>>)
    %dma_wait3A_287 = arith.constant 6 : i32
    %dma_wait3A_288 = arith.constant 6144 : i32
    %dma_wait3A_289 = tpu.memref_slice %arg5[%dma_wait3A_288] : memref<20480xi32, #tpu.memory_space<vmem>> -> memref<1024xi32, #tpu.memory_space<vmem>>
    %dma_wait3A_290 = arith.constant 0 : i32
    %dma_wait3A_291 = tpu.memref_slice %arg3[%dma_wait3A_287, %dma_wait3A_290] : memref<21x1024xi32, #tpu.memory_space<hbm>> -> memref<1x1024xi32, #tpu.memory_space<hbm>>
    %dma_wait3A_292 = tpu.memref_squeeze %dma_wait3A_291 : memref<1x1024xi32, #tpu.memory_space<hbm>> -> memref<1024xi32, #tpu.memory_space<hbm>>
    %dma_wait3A_293 = arith.constant 6144 : i32
    %dma_wait3A_294 = tpu.memref_slice %arg5[%dma_wait3A_293] : memref<20480xi32, #tpu.memory_space<vmem>> -> memref<1024xi32, #tpu.memory_space<vmem>>
    %dma_wait3A_295 = arith.constant 0 : i32
    %dma_wait3A_296 = tpu.memref_slice %arg3[%dma_wait3A_287, %dma_wait3A_295] : memref<21x1024xi32, #tpu.memory_space<hbm>> -> memref<1x1024xi32, #tpu.memory_space<hbm>>
    %dma_wait3A_297 = tpu.memref_squeeze %dma_wait3A_296 : memref<1x1024xi32, #tpu.memory_space<hbm>> -> memref<1024xi32, #tpu.memory_space<hbm>>
    tpu.wait_dma2 semaphore(%arg9 : memref<!tpu.dma_semaphore, #tpu.memory_space<semaphore_mem>>) src(%dma_wait3A_297 : memref<1024xi32, #tpu.memory_space<hbm>>) dst(%dma_wait3A_294 : memref<1024xi32, #tpu.memory_space<vmem>>)
    %dma_wait3A_298 = arith.constant 7 : i32
    %dma_wait3A_299 = arith.constant 7168 : i32
    %dma_wait3A_300 = tpu.memref_slice %arg5[%dma_wait3A_299] : memref<20480xi32, #tpu.memory_space<vmem>> -> memref<1024xi32, #tpu.memory_space<vmem>>
    %dma_wait3A_301 = arith.constant 0 : i32
    %dma_wait3A_302 = tpu.memref_slice %arg3[%dma_wait3A_298, %dma_wait3A_301] : memref<21x1024xi32, #tpu.memory_space<hbm>> -> memref<1x1024xi32, #tpu.memory_space<hbm>>
    %dma_wait3A_303 = tpu.memref_squeeze %dma_wait3A_302 : memref<1x1024xi32, #tpu.memory_space<hbm>> -> memref<1024xi32, #tpu.memory_space<hbm>>
    %dma_wait3A_304 = arith.constant 7168 : i32
    %dma_wait3A_305 = tpu.memref_slice %arg5[%dma_wait3A_304] : memref<20480xi32, #tpu.memory_space<vmem>> -> memref<1024xi32, #tpu.memory_space<vmem>>
    %dma_wait3A_306 = arith.constant 0 : i32
    %dma_wait3A_307 = tpu.memref_slice %arg3[%dma_wait3A_298, %dma_wait3A_306] : memref<21x1024xi32, #tpu.memory_space<hbm>> -> memref<1x1024xi32, #tpu.memory_space<hbm>>
    %dma_wait3A_308 = tpu.memref_squeeze %dma_wait3A_307 : memref<1x1024xi32, #tpu.memory_space<hbm>> -> memref<1024xi32, #tpu.memory_space<hbm>>
    tpu.wait_dma2 semaphore(%arg9 : memref<!tpu.dma_semaphore, #tpu.memory_space<semaphore_mem>>) src(%dma_wait3A_308 : memref<1024xi32, #tpu.memory_space<hbm>>) dst(%dma_wait3A_305 : memref<1024xi32, #tpu.memory_space<vmem>>)
    %dma_wait3A_309 = arith.constant 8 : i32
    %dma_wait3A_310 = arith.constant 8192 : i32
    %dma_wait3A_311 = tpu.memref_slice %arg5[%dma_wait3A_310] : memref<20480xi32, #tpu.memory_space<vmem>> -> memref<1024xi32, #tpu.memory_space<vmem>>
    %dma_wait3A_312 = arith.constant 0 : i32
    %dma_wait3A_313 = tpu.memref_slice %arg3[%dma_wait3A_309, %dma_wait3A_312] : memref<21x1024xi32, #tpu.memory_space<hbm>> -> memref<1x1024xi32, #tpu.memory_space<hbm>>
    %dma_wait3A_314 = tpu.memref_squeeze %dma_wait3A_313 : memref<1x1024xi32, #tpu.memory_space<hbm>> -> memref<1024xi32, #tpu.memory_space<hbm>>
    %dma_wait3A_315 = arith.constant 8192 : i32
    %dma_wait3A_316 = tpu.memref_slice %arg5[%dma_wait3A_315] : memref<20480xi32, #tpu.memory_space<vmem>> -> memref<1024xi32, #tpu.memory_space<vmem>>
    %dma_wait3A_317 = arith.constant 0 : i32
    %dma_wait3A_318 = tpu.memref_slice %arg3[%dma_wait3A_309, %dma_wait3A_317] : memref<21x1024xi32, #tpu.memory_space<hbm>> -> memref<1x1024xi32, #tpu.memory_space<hbm>>
    %dma_wait3A_319 = tpu.memref_squeeze %dma_wait3A_318 : memref<1x1024xi32, #tpu.memory_space<hbm>> -> memref<1024xi32, #tpu.memory_space<hbm>>
    tpu.wait_dma2 semaphore(%arg9 : memref<!tpu.dma_semaphore, #tpu.memory_space<semaphore_mem>>) src(%dma_wait3A_319 : memref<1024xi32, #tpu.memory_space<hbm>>) dst(%dma_wait3A_316 : memref<1024xi32, #tpu.memory_space<vmem>>)
    %dma_wait3A_320 = arith.constant 9 : i32
    %dma_wait3A_321 = arith.constant 9216 : i32
    %dma_wait3A_322 = tpu.memref_slice %arg5[%dma_wait3A_321] : memref<20480xi32, #tpu.memory_space<vmem>> -> memref<1024xi32, #tpu.memory_space<vmem>>
    %dma_wait3A_323 = arith.constant 0 : i32
    %dma_wait3A_324 = tpu.memref_slice %arg3[%dma_wait3A_320, %dma_wait3A_323] : memref<21x1024xi32, #tpu.memory_space<hbm>> -> memref<1x1024xi32, #tpu.memory_space<hbm>>
    %dma_wait3A_325 = tpu.memref_squeeze %dma_wait3A_324 : memref<1x1024xi32, #tpu.memory_space<hbm>> -> memref<1024xi32, #tpu.memory_space<hbm>>
    %dma_wait3A_326 = arith.constant 9216 : i32
    %dma_wait3A_327 = tpu.memref_slice %arg5[%dma_wait3A_326] : memref<20480xi32, #tpu.memory_space<vmem>> -> memref<1024xi32, #tpu.memory_space<vmem>>
    %dma_wait3A_328 = arith.constant 0 : i32
    %dma_wait3A_329 = tpu.memref_slice %arg3[%dma_wait3A_320, %dma_wait3A_328] : memref<21x1024xi32, #tpu.memory_space<hbm>> -> memref<1x1024xi32, #tpu.memory_space<hbm>>
    %dma_wait3A_330 = tpu.memref_squeeze %dma_wait3A_329 : memref<1x1024xi32, #tpu.memory_space<hbm>> -> memref<1024xi32, #tpu.memory_space<hbm>>
    tpu.wait_dma2 semaphore(%arg9 : memref<!tpu.dma_semaphore, #tpu.memory_space<semaphore_mem>>) src(%dma_wait3A_330 : memref<1024xi32, #tpu.memory_space<hbm>>) dst(%dma_wait3A_327 : memref<1024xi32, #tpu.memory_space<vmem>>)
    %dma_wait3A_331 = arith.constant 10 : i32
    %dma_wait3A_332 = arith.constant 10240 : i32
    %dma_wait3A_333 = tpu.memref_slice %arg5[%dma_wait3A_332] : memref<20480xi32, #tpu.memory_space<vmem>> -> memref<1024xi32, #tpu.memory_space<vmem>>
    %dma_wait3A_334 = arith.constant 0 : i32
    %dma_wait3A_335 = tpu.memref_slice %arg3[%dma_wait3A_331, %dma_wait3A_334] : memref<21x1024xi32, #tpu.memory_space<hbm>> -> memref<1x1024xi32, #tpu.memory_space<hbm>>
    %dma_wait3A_336 = tpu.memref_squeeze %dma_wait3A_335 : memref<1x1024xi32, #tpu.memory_space<hbm>> -> memref<1024xi32, #tpu.memory_space<hbm>>
    %dma_wait3A_337 = arith.constant 10240 : i32
    %dma_wait3A_338 = tpu.memref_slice %arg5[%dma_wait3A_337] : memref<20480xi32, #tpu.memory_space<vmem>> -> memref<1024xi32, #tpu.memory_space<vmem>>
    %dma_wait3A_339 = arith.constant 0 : i32
    %dma_wait3A_340 = tpu.memref_slice %arg3[%dma_wait3A_331, %dma_wait3A_339] : memref<21x1024xi32, #tpu.memory_space<hbm>> -> memref<1x1024xi32, #tpu.memory_space<hbm>>
    %dma_wait3A_341 = tpu.memref_squeeze %dma_wait3A_340 : memref<1x1024xi32, #tpu.memory_space<hbm>> -> memref<1024xi32, #tpu.memory_space<hbm>>
    tpu.wait_dma2 semaphore(%arg9 : memref<!tpu.dma_semaphore, #tpu.memory_space<semaphore_mem>>) src(%dma_wait3A_341 : memref<1024xi32, #tpu.memory_space<hbm>>) dst(%dma_wait3A_338 : memref<1024xi32, #tpu.memory_space<vmem>>)
    %dma_wait3A_342 = arith.constant 11 : i32
    %dma_wait3A_343 = arith.constant 11264 : i32
    %dma_wait3A_344 = tpu.memref_slice %arg5[%dma_wait3A_343] : memref<20480xi32, #tpu.memory_space<vmem>> -> memref<1024xi32, #tpu.memory_space<vmem>>
    %dma_wait3A_345 = arith.constant 0 : i32
    %dma_wait3A_346 = tpu.memref_slice %arg3[%dma_wait3A_342, %dma_wait3A_345] : memref<21x1024xi32, #tpu.memory_space<hbm>> -> memref<1x1024xi32, #tpu.memory_space<hbm>>
    %dma_wait3A_347 = tpu.memref_squeeze %dma_wait3A_346 : memref<1x1024xi32, #tpu.memory_space<hbm>> -> memref<1024xi32, #tpu.memory_space<hbm>>
    %dma_wait3A_348 = arith.constant 11264 : i32
    %dma_wait3A_349 = tpu.memref_slice %arg5[%dma_wait3A_348] : memref<20480xi32, #tpu.memory_space<vmem>> -> memref<1024xi32, #tpu.memory_space<vmem>>
    %dma_wait3A_350 = arith.constant 0 : i32
    %dma_wait3A_351 = tpu.memref_slice %arg3[%dma_wait3A_342, %dma_wait3A_350] : memref<21x1024xi32, #tpu.memory_space<hbm>> -> memref<1x1024xi32, #tpu.memory_space<hbm>>
    %dma_wait3A_352 = tpu.memref_squeeze %dma_wait3A_351 : memref<1x1024xi32, #tpu.memory_space<hbm>> -> memref<1024xi32, #tpu.memory_space<hbm>>
    tpu.wait_dma2 semaphore(%arg9 : memref<!tpu.dma_semaphore, #tpu.memory_space<semaphore_mem>>) src(%dma_wait3A_352 : memref<1024xi32, #tpu.memory_space<hbm>>) dst(%dma_wait3A_349 : memref<1024xi32, #tpu.memory_space<vmem>>)
    %dma_wait3A_353 = arith.constant 12 : i32
    %dma_wait3A_354 = arith.constant 12288 : i32
    %dma_wait3A_355 = tpu.memref_slice %arg5[%dma_wait3A_354] : memref<20480xi32, #tpu.memory_space<vmem>> -> memref<1024xi32, #tpu.memory_space<vmem>>
    %dma_wait3A_356 = arith.constant 0 : i32
    %dma_wait3A_357 = tpu.memref_slice %arg3[%dma_wait3A_353, %dma_wait3A_356] : memref<21x1024xi32, #tpu.memory_space<hbm>> -> memref<1x1024xi32, #tpu.memory_space<hbm>>
    %dma_wait3A_358 = tpu.memref_squeeze %dma_wait3A_357 : memref<1x1024xi32, #tpu.memory_space<hbm>> -> memref<1024xi32, #tpu.memory_space<hbm>>
    %dma_wait3A_359 = arith.constant 12288 : i32
    %dma_wait3A_360 = tpu.memref_slice %arg5[%dma_wait3A_359] : memref<20480xi32, #tpu.memory_space<vmem>> -> memref<1024xi32, #tpu.memory_space<vmem>>
    %dma_wait3A_361 = arith.constant 0 : i32
    %dma_wait3A_362 = tpu.memref_slice %arg3[%dma_wait3A_353, %dma_wait3A_361] : memref<21x1024xi32, #tpu.memory_space<hbm>> -> memref<1x1024xi32, #tpu.memory_space<hbm>>
    %dma_wait3A_363 = tpu.memref_squeeze %dma_wait3A_362 : memref<1x1024xi32, #tpu.memory_space<hbm>> -> memref<1024xi32, #tpu.memory_space<hbm>>
    tpu.wait_dma2 semaphore(%arg9 : memref<!tpu.dma_semaphore, #tpu.memory_space<semaphore_mem>>) src(%dma_wait3A_363 : memref<1024xi32, #tpu.memory_space<hbm>>) dst(%dma_wait3A_360 : memref<1024xi32, #tpu.memory_space<vmem>>)
    %dma_wait3A_364 = arith.constant 13 : i32
    %dma_wait3A_365 = arith.constant 13312 : i32
    %dma_wait3A_366 = tpu.memref_slice %arg5[%dma_wait3A_365] : memref<20480xi32, #tpu.memory_space<vmem>> -> memref<1024xi32, #tpu.memory_space<vmem>>
    %dma_wait3A_367 = arith.constant 0 : i32
    %dma_wait3A_368 = tpu.memref_slice %arg3[%dma_wait3A_364, %dma_wait3A_367] : memref<21x1024xi32, #tpu.memory_space<hbm>> -> memref<1x1024xi32, #tpu.memory_space<hbm>>
    %dma_wait3A_369 = tpu.memref_squeeze %dma_wait3A_368 : memref<1x1024xi32, #tpu.memory_space<hbm>> -> memref<1024xi32, #tpu.memory_space<hbm>>
    %dma_wait3A_370 = arith.constant 13312 : i32
    %dma_wait3A_371 = tpu.memref_slice %arg5[%dma_wait3A_370] : memref<20480xi32, #tpu.memory_space<vmem>> -> memref<1024xi32, #tpu.memory_space<vmem>>
    %dma_wait3A_372 = arith.constant 0 : i32
    %dma_wait3A_373 = tpu.memref_slice %arg3[%dma_wait3A_364, %dma_wait3A_372] : memref<21x1024xi32, #tpu.memory_space<hbm>> -> memref<1x1024xi32, #tpu.memory_space<hbm>>
    %dma_wait3A_374 = tpu.memref_squeeze %dma_wait3A_373 : memref<1x1024xi32, #tpu.memory_space<hbm>> -> memref<1024xi32, #tpu.memory_space<hbm>>
    tpu.wait_dma2 semaphore(%arg9 : memref<!tpu.dma_semaphore, #tpu.memory_space<semaphore_mem>>) src(%dma_wait3A_374 : memref<1024xi32, #tpu.memory_space<hbm>>) dst(%dma_wait3A_371 : memref<1024xi32, #tpu.memory_space<vmem>>)
    %dma_wait3A_375 = arith.constant 14 : i32
    %dma_wait3A_376 = arith.constant 14336 : i32
    %dma_wait3A_377 = tpu.memref_slice %arg5[%dma_wait3A_376] : memref<20480xi32, #tpu.memory_space<vmem>> -> memref<1024xi32, #tpu.memory_space<vmem>>
    %dma_wait3A_378 = arith.constant 0 : i32
    %dma_wait3A_379 = tpu.memref_slice %arg3[%dma_wait3A_375, %dma_wait3A_378] : memref<21x1024xi32, #tpu.memory_space<hbm>> -> memref<1x1024xi32, #tpu.memory_space<hbm>>
    %dma_wait3A_380 = tpu.memref_squeeze %dma_wait3A_379 : memref<1x1024xi32, #tpu.memory_space<hbm>> -> memref<1024xi32, #tpu.memory_space<hbm>>
    %dma_wait3A_381 = arith.constant 14336 : i32
    %dma_wait3A_382 = tpu.memref_slice %arg5[%dma_wait3A_381] : memref<20480xi32, #tpu.memory_space<vmem>> -> memref<1024xi32, #tpu.memory_space<vmem>>
    %dma_wait3A_383 = arith.constant 0 : i32
    %dma_wait3A_384 = tpu.memref_slice %arg3[%dma_wait3A_375, %dma_wait3A_383] : memref<21x1024xi32, #tpu.memory_space<hbm>> -> memref<1x1024xi32, #tpu.memory_space<hbm>>
    %dma_wait3A_385 = tpu.memref_squeeze %dma_wait3A_384 : memref<1x1024xi32, #tpu.memory_space<hbm>> -> memref<1024xi32, #tpu.memory_space<hbm>>
    tpu.wait_dma2 semaphore(%arg9 : memref<!tpu.dma_semaphore, #tpu.memory_space<semaphore_mem>>) src(%dma_wait3A_385 : memref<1024xi32, #tpu.memory_space<hbm>>) dst(%dma_wait3A_382 : memref<1024xi32, #tpu.memory_space<vmem>>)
    %dma_wait3A_386 = arith.constant 15 : i32
    %dma_wait3A_387 = arith.constant 15360 : i32
    %dma_wait3A_388 = tpu.memref_slice %arg5[%dma_wait3A_387] : memref<20480xi32, #tpu.memory_space<vmem>> -> memref<1024xi32, #tpu.memory_space<vmem>>
    %dma_wait3A_389 = arith.constant 0 : i32
    %dma_wait3A_390 = tpu.memref_slice %arg3[%dma_wait3A_386, %dma_wait3A_389] : memref<21x1024xi32, #tpu.memory_space<hbm>> -> memref<1x1024xi32, #tpu.memory_space<hbm>>
    %dma_wait3A_391 = tpu.memref_squeeze %dma_wait3A_390 : memref<1x1024xi32, #tpu.memory_space<hbm>> -> memref<1024xi32, #tpu.memory_space<hbm>>
    %dma_wait3A_392 = arith.constant 15360 : i32
    %dma_wait3A_393 = tpu.memref_slice %arg5[%dma_wait3A_392] : memref<20480xi32, #tpu.memory_space<vmem>> -> memref<1024xi32, #tpu.memory_space<vmem>>
    %dma_wait3A_394 = arith.constant 0 : i32
    %dma_wait3A_395 = tpu.memref_slice %arg3[%dma_wait3A_386, %dma_wait3A_394] : memref<21x1024xi32, #tpu.memory_space<hbm>> -> memref<1x1024xi32, #tpu.memory_space<hbm>>
    %dma_wait3A_396 = tpu.memref_squeeze %dma_wait3A_395 : memref<1x1024xi32, #tpu.memory_space<hbm>> -> memref<1024xi32, #tpu.memory_space<hbm>>
    tpu.wait_dma2 semaphore(%arg9 : memref<!tpu.dma_semaphore, #tpu.memory_space<semaphore_mem>>) src(%dma_wait3A_396 : memref<1024xi32, #tpu.memory_space<hbm>>) dst(%dma_wait3A_393 : memref<1024xi32, #tpu.memory_space<vmem>>)
    %dma_wait3A_397 = arith.constant 16 : i32
    %dma_wait3A_398 = arith.constant 16384 : i32
    %dma_wait3A_399 = tpu.memref_slice %arg5[%dma_wait3A_398] : memref<20480xi32, #tpu.memory_space<vmem>> -> memref<1024xi32, #tpu.memory_space<vmem>>
    %dma_wait3A_400 = arith.constant 0 : i32
    %dma_wait3A_401 = tpu.memref_slice %arg3[%dma_wait3A_397, %dma_wait3A_400] : memref<21x1024xi32, #tpu.memory_space<hbm>> -> memref<1x1024xi32, #tpu.memory_space<hbm>>
    %dma_wait3A_402 = tpu.memref_squeeze %dma_wait3A_401 : memref<1x1024xi32, #tpu.memory_space<hbm>> -> memref<1024xi32, #tpu.memory_space<hbm>>
    %dma_wait3A_403 = arith.constant 16384 : i32
    %dma_wait3A_404 = tpu.memref_slice %arg5[%dma_wait3A_403] : memref<20480xi32, #tpu.memory_space<vmem>> -> memref<1024xi32, #tpu.memory_space<vmem>>
    %dma_wait3A_405 = arith.constant 0 : i32
    %dma_wait3A_406 = tpu.memref_slice %arg3[%dma_wait3A_397, %dma_wait3A_405] : memref<21x1024xi32, #tpu.memory_space<hbm>> -> memref<1x1024xi32, #tpu.memory_space<hbm>>
    %dma_wait3A_407 = tpu.memref_squeeze %dma_wait3A_406 : memref<1x1024xi32, #tpu.memory_space<hbm>> -> memref<1024xi32, #tpu.memory_space<hbm>>
    tpu.wait_dma2 semaphore(%arg9 : memref<!tpu.dma_semaphore, #tpu.memory_space<semaphore_mem>>) src(%dma_wait3A_407 : memref<1024xi32, #tpu.memory_space<hbm>>) dst(%dma_wait3A_404 : memref<1024xi32, #tpu.memory_space<vmem>>)
    %dma_wait3A_408 = arith.constant 17 : i32
    %dma_wait3A_409 = arith.constant 17408 : i32
    %dma_wait3A_410 = tpu.memref_slice %arg5[%dma_wait3A_409] : memref<20480xi32, #tpu.memory_space<vmem>> -> memref<1024xi32, #tpu.memory_space<vmem>>
    %dma_wait3A_411 = arith.constant 0 : i32
    %dma_wait3A_412 = tpu.memref_slice %arg3[%dma_wait3A_408, %dma_wait3A_411] : memref<21x1024xi32, #tpu.memory_space<hbm>> -> memref<1x1024xi32, #tpu.memory_space<hbm>>
    %dma_wait3A_413 = tpu.memref_squeeze %dma_wait3A_412 : memref<1x1024xi32, #tpu.memory_space<hbm>> -> memref<1024xi32, #tpu.memory_space<hbm>>
    %dma_wait3A_414 = arith.constant 17408 : i32
    %dma_wait3A_415 = tpu.memref_slice %arg5[%dma_wait3A_414] : memref<20480xi32, #tpu.memory_space<vmem>> -> memref<1024xi32, #tpu.memory_space<vmem>>
    %dma_wait3A_416 = arith.constant 0 : i32
    %dma_wait3A_417 = tpu.memref_slice %arg3[%dma_wait3A_408, %dma_wait3A_416] : memref<21x1024xi32, #tpu.memory_space<hbm>> -> memref<1x1024xi32, #tpu.memory_space<hbm>>
    %dma_wait3A_418 = tpu.memref_squeeze %dma_wait3A_417 : memref<1x1024xi32, #tpu.memory_space<hbm>> -> memref<1024xi32, #tpu.memory_space<hbm>>
    tpu.wait_dma2 semaphore(%arg9 : memref<!tpu.dma_semaphore, #tpu.memory_space<semaphore_mem>>) src(%dma_wait3A_418 : memref<1024xi32, #tpu.memory_space<hbm>>) dst(%dma_wait3A_415 : memref<1024xi32, #tpu.memory_space<vmem>>)
    %dma_wait3A_419 = arith.constant 18 : i32
    %dma_wait3A_420 = arith.constant 18432 : i32
    %dma_wait3A_421 = tpu.memref_slice %arg5[%dma_wait3A_420] : memref<20480xi32, #tpu.memory_space<vmem>> -> memref<1024xi32, #tpu.memory_space<vmem>>
    %dma_wait3A_422 = arith.constant 0 : i32
    %dma_wait3A_423 = tpu.memref_slice %arg3[%dma_wait3A_419, %dma_wait3A_422] : memref<21x1024xi32, #tpu.memory_space<hbm>> -> memref<1x1024xi32, #tpu.memory_space<hbm>>
    %dma_wait3A_424 = tpu.memref_squeeze %dma_wait3A_423 : memref<1x1024xi32, #tpu.memory_space<hbm>> -> memref<1024xi32, #tpu.memory_space<hbm>>
    %dma_wait3A_425 = arith.constant 18432 : i32
    %dma_wait3A_426 = tpu.memref_slice %arg5[%dma_wait3A_425] : memref<20480xi32, #tpu.memory_space<vmem>> -> memref<1024xi32, #tpu.memory_space<vmem>>
    %dma_wait3A_427 = arith.constant 0 : i32
    %dma_wait3A_428 = tpu.memref_slice %arg3[%dma_wait3A_419, %dma_wait3A_427] : memref<21x1024xi32, #tpu.memory_space<hbm>> -> memref<1x1024xi32, #tpu.memory_space<hbm>>
    %dma_wait3A_429 = tpu.memref_squeeze %dma_wait3A_428 : memref<1x1024xi32, #tpu.memory_space<hbm>> -> memref<1024xi32, #tpu.memory_space<hbm>>
    tpu.wait_dma2 semaphore(%arg9 : memref<!tpu.dma_semaphore, #tpu.memory_space<semaphore_mem>>) src(%dma_wait3A_429 : memref<1024xi32, #tpu.memory_space<hbm>>) dst(%dma_wait3A_426 : memref<1024xi32, #tpu.memory_space<vmem>>)
    %dma_wait3A_430 = arith.constant 19 : i32
    %dma_wait3A_431 = arith.constant 19456 : i32
    %dma_wait3A_432 = tpu.memref_slice %arg5[%dma_wait3A_431] : memref<20480xi32, #tpu.memory_space<vmem>> -> memref<1024xi32, #tpu.memory_space<vmem>>
    %dma_wait3A_433 = arith.constant 0 : i32
    %dma_wait3A_434 = tpu.memref_slice %arg3[%dma_wait3A_430, %dma_wait3A_433] : memref<21x1024xi32, #tpu.memory_space<hbm>> -> memref<1x1024xi32, #tpu.memory_space<hbm>>
    %dma_wait3A_435 = tpu.memref_squeeze %dma_wait3A_434 : memref<1x1024xi32, #tpu.memory_space<hbm>> -> memref<1024xi32, #tpu.memory_space<hbm>>
    %dma_wait3A_436 = arith.constant 19456 : i32
    %dma_wait3A_437 = tpu.memref_slice %arg5[%dma_wait3A_436] : memref<20480xi32, #tpu.memory_space<vmem>> -> memref<1024xi32, #tpu.memory_space<vmem>>
    %dma_wait3A_438 = arith.constant 0 : i32
    %dma_wait3A_439 = tpu.memref_slice %arg3[%dma_wait3A_430, %dma_wait3A_438] : memref<21x1024xi32, #tpu.memory_space<hbm>> -> memref<1x1024xi32, #tpu.memory_space<hbm>>
    %dma_wait3A_440 = tpu.memref_squeeze %dma_wait3A_439 : memref<1x1024xi32, #tpu.memory_space<hbm>> -> memref<1024xi32, #tpu.memory_space<hbm>>
    tpu.wait_dma2 semaphore(%arg9 : memref<!tpu.dma_semaphore, #tpu.memory_space<semaphore_mem>>) src(%dma_wait3A_440 : memref<1024xi32, #tpu.memory_space<hbm>>) dst(%dma_wait3A_437 : memref<1024xi32, #tpu.memory_space<vmem>>)
    %add3A_441 = arith.constant 0 : i32
    %add3A_442 = arith.addi %add3A_441, %mul3A_2 : i32
    %dma_start3A_443 = arith.constant 0 : i32
    %dma_start3A_444 = arith.constant 0 : i32
    %dma_start3A_445 = tpu.memref_slice %arg6[%dma_start3A_443, %dma_start3A_444] : memref<640x128xf32, #tpu.memory_space<vmem>> -> memref<32x128xf32, #tpu.memory_space<vmem>>
    %dma_start3A_446 = tpu.memref_slice %arg5[%add3A_442] : memref<20480xi32, #tpu.memory_space<vmem>> -> memref<32xi32, #tpu.memory_space<vmem>>
    %dma_start3A_447 = arith.constant 0 : i32
    %dma_start3A_448 = arith.constant 0 : i32
    %dma_start3A_449 = tpu.memref_slice %arg2[%dma_start3A_447, %dma_start3A_448] : memref<100000x128xf32, #tpu.memory_space<hbm>> -> memref<100000x128xf32, #tpu.memory_space<hbm>>
    tpu.enqueue_indirect_dma source(%dma_start3A_449 : memref<100000x128xf32, #tpu.memory_space<hbm>>) target(%dma_start3A_445 : memref<32x128xf32, #tpu.memory_space<vmem>>) offsets(%dma_start3A_446 : memref<32xi32, #tpu.memory_space<vmem>>) semaphore(%arg8 : memref<!tpu.dma_semaphore, #tpu.memory_space<semaphore_mem>>)
    %add3A_450 = arith.constant 1024 : i32
    %add3A_451 = arith.addi %add3A_450, %mul3A_2 : i32
    %dma_start3A_452 = arith.constant 32 : i32
    %dma_start3A_453 = arith.constant 0 : i32
    %dma_start3A_454 = tpu.memref_slice %arg6[%dma_start3A_452, %dma_start3A_453] : memref<640x128xf32, #tpu.memory_space<vmem>> -> memref<32x128xf32, #tpu.memory_space<vmem>>
    %dma_start3A_455 = tpu.memref_slice %arg5[%add3A_451] : memref<20480xi32, #tpu.memory_space<vmem>> -> memref<32xi32, #tpu.memory_space<vmem>>
    %dma_start3A_456 = arith.constant 0 : i32
    %dma_start3A_457 = arith.constant 0 : i32
    %dma_start3A_458 = tpu.memref_slice %arg2[%dma_start3A_456, %dma_start3A_457] : memref<100000x128xf32, #tpu.memory_space<hbm>> -> memref<100000x128xf32, #tpu.memory_space<hbm>>
    tpu.enqueue_indirect_dma source(%dma_start3A_458 : memref<100000x128xf32, #tpu.memory_space<hbm>>) target(%dma_start3A_454 : memref<32x128xf32, #tpu.memory_space<vmem>>) offsets(%dma_start3A_455 : memref<32xi32, #tpu.memory_space<vmem>>) semaphore(%arg8 : memref<!tpu.dma_semaphore, #tpu.memory_space<semaphore_mem>>)
    %add3A_459 = arith.constant 2048 : i32
    %add3A_460 = arith.addi %add3A_459, %mul3A_2 : i32
    %dma_start3A_461 = arith.constant 64 : i32
    %dma_start3A_462 = arith.constant 0 : i32
    %dma_start3A_463 = tpu.memref_slice %arg6[%dma_start3A_461, %dma_start3A_462] : memref<640x128xf32, #tpu.memory_space<vmem>> -> memref<32x128xf32, #tpu.memory_space<vmem>>
    %dma_start3A_464 = tpu.memref_slice %arg5[%add3A_460] : memref<20480xi32, #tpu.memory_space<vmem>> -> memref<32xi32, #tpu.memory_space<vmem>>
    %dma_start3A_465 = arith.constant 0 : i32
    %dma_start3A_466 = arith.constant 0 : i32
    %dma_start3A_467 = tpu.memref_slice %arg2[%dma_start3A_465, %dma_start3A_466] : memref<100000x128xf32, #tpu.memory_space<hbm>> -> memref<100000x128xf32, #tpu.memory_space<hbm>>
    tpu.enqueue_indirect_dma source(%dma_start3A_467 : memref<100000x128xf32, #tpu.memory_space<hbm>>) target(%dma_start3A_463 : memref<32x128xf32, #tpu.memory_space<vmem>>) offsets(%dma_start3A_464 : memref<32xi32, #tpu.memory_space<vmem>>) semaphore(%arg8 : memref<!tpu.dma_semaphore, #tpu.memory_space<semaphore_mem>>)
    %add3A_468 = arith.constant 3072 : i32
    %add3A_469 = arith.addi %add3A_468, %mul3A_2 : i32
    %dma_start3A_470 = arith.constant 96 : i32
    %dma_start3A_471 = arith.constant 0 : i32
    %dma_start3A_472 = tpu.memref_slice %arg6[%dma_start3A_470, %dma_start3A_471] : memref<640x128xf32, #tpu.memory_space<vmem>> -> memref<32x128xf32, #tpu.memory_space<vmem>>
    %dma_start3A_473 = tpu.memref_slice %arg5[%add3A_469] : memref<20480xi32, #tpu.memory_space<vmem>> -> memref<32xi32, #tpu.memory_space<vmem>>
    %dma_start3A_474 = arith.constant 0 : i32
    %dma_start3A_475 = arith.constant 0 : i32
    %dma_start3A_476 = tpu.memref_slice %arg2[%dma_start3A_474, %dma_start3A_475] : memref<100000x128xf32, #tpu.memory_space<hbm>> -> memref<100000x128xf32, #tpu.memory_space<hbm>>
    tpu.enqueue_indirect_dma source(%dma_start3A_476 : memref<100000x128xf32, #tpu.memory_space<hbm>>) target(%dma_start3A_472 : memref<32x128xf32, #tpu.memory_space<vmem>>) offsets(%dma_start3A_473 : memref<32xi32, #tpu.memory_space<vmem>>) semaphore(%arg8 : memref<!tpu.dma_semaphore, #tpu.memory_space<semaphore_mem>>)
    %add3A_477 = arith.constant 4096 : i32
    %add3A_478 = arith.addi %add3A_477, %mul3A_2 : i32
    %dma_start3A_479 = arith.constant 128 : i32
    %dma_start3A_480 = arith.constant 0 : i32
    %dma_start3A_481 = tpu.memref_slice %arg6[%dma_start3A_479, %dma_start3A_480] : memref<640x128xf32, #tpu.memory_space<vmem>> -> memref<32x128xf32, #tpu.memory_space<vmem>>
    %dma_start3A_482 = tpu.memref_slice %arg5[%add3A_478] : memref<20480xi32, #tpu.memory_space<vmem>> -> memref<32xi32, #tpu.memory_space<vmem>>
    %dma_start3A_483 = arith.constant 0 : i32
    %dma_start3A_484 = arith.constant 0 : i32
    %dma_start3A_485 = tpu.memref_slice %arg2[%dma_start3A_483, %dma_start3A_484] : memref<100000x128xf32, #tpu.memory_space<hbm>> -> memref<100000x128xf32, #tpu.memory_space<hbm>>
    tpu.enqueue_indirect_dma source(%dma_start3A_485 : memref<100000x128xf32, #tpu.memory_space<hbm>>) target(%dma_start3A_481 : memref<32x128xf32, #tpu.memory_space<vmem>>) offsets(%dma_start3A_482 : memref<32xi32, #tpu.memory_space<vmem>>) semaphore(%arg8 : memref<!tpu.dma_semaphore, #tpu.memory_space<semaphore_mem>>)
    %add3A_486 = arith.constant 5120 : i32
    %add3A_487 = arith.addi %add3A_486, %mul3A_2 : i32
    %dma_start3A_488 = arith.constant 160 : i32
    %dma_start3A_489 = arith.constant 0 : i32
    %dma_start3A_490 = tpu.memref_slice %arg6[%dma_start3A_488, %dma_start3A_489] : memref<640x128xf32, #tpu.memory_space<vmem>> -> memref<32x128xf32, #tpu.memory_space<vmem>>
    %dma_start3A_491 = tpu.memref_slice %arg5[%add3A_487] : memref<20480xi32, #tpu.memory_space<vmem>> -> memref<32xi32, #tpu.memory_space<vmem>>
    %dma_start3A_492 = arith.constant 0 : i32
    %dma_start3A_493 = arith.constant 0 : i32
    %dma_start3A_494 = tpu.memref_slice %arg2[%dma_start3A_492, %dma_start3A_493] : memref<100000x128xf32, #tpu.memory_space<hbm>> -> memref<100000x128xf32, #tpu.memory_space<hbm>>
    tpu.enqueue_indirect_dma source(%dma_start3A_494 : memref<100000x128xf32, #tpu.memory_space<hbm>>) target(%dma_start3A_490 : memref<32x128xf32, #tpu.memory_space<vmem>>) offsets(%dma_start3A_491 : memref<32xi32, #tpu.memory_space<vmem>>) semaphore(%arg8 : memref<!tpu.dma_semaphore, #tpu.memory_space<semaphore_mem>>)
    %add3A_495 = arith.constant 6144 : i32
    %add3A_496 = arith.addi %add3A_495, %mul3A_2 : i32
    %dma_start3A_497 = arith.constant 192 : i32
    %dma_start3A_498 = arith.constant 0 : i32
    %dma_start3A_499 = tpu.memref_slice %arg6[%dma_start3A_497, %dma_start3A_498] : memref<640x128xf32, #tpu.memory_space<vmem>> -> memref<32x128xf32, #tpu.memory_space<vmem>>
    %dma_start3A_500 = tpu.memref_slice %arg5[%add3A_496] : memref<20480xi32, #tpu.memory_space<vmem>> -> memref<32xi32, #tpu.memory_space<vmem>>
    %dma_start3A_501 = arith.constant 0 : i32
    %dma_start3A_502 = arith.constant 0 : i32
    %dma_start3A_503 = tpu.memref_slice %arg2[%dma_start3A_501, %dma_start3A_502] : memref<100000x128xf32, #tpu.memory_space<hbm>> -> memref<100000x128xf32, #tpu.memory_space<hbm>>
    tpu.enqueue_indirect_dma source(%dma_start3A_503 : memref<100000x128xf32, #tpu.memory_space<hbm>>) target(%dma_start3A_499 : memref<32x128xf32, #tpu.memory_space<vmem>>) offsets(%dma_start3A_500 : memref<32xi32, #tpu.memory_space<vmem>>) semaphore(%arg8 : memref<!tpu.dma_semaphore, #tpu.memory_space<semaphore_mem>>)
    %add3A_504 = arith.constant 7168 : i32
    %add3A_505 = arith.addi %add3A_504, %mul3A_2 : i32
    %dma_start3A_506 = arith.constant 224 : i32
    %dma_start3A_507 = arith.constant 0 : i32
    %dma_start3A_508 = tpu.memref_slice %arg6[%dma_start3A_506, %dma_start3A_507] : memref<640x128xf32, #tpu.memory_space<vmem>> -> memref<32x128xf32, #tpu.memory_space<vmem>>
    %dma_start3A_509 = tpu.memref_slice %arg5[%add3A_505] : memref<20480xi32, #tpu.memory_space<vmem>> -> memref<32xi32, #tpu.memory_space<vmem>>
    %dma_start3A_510 = arith.constant 0 : i32
    %dma_start3A_511 = arith.constant 0 : i32
    %dma_start3A_512 = tpu.memref_slice %arg2[%dma_start3A_510, %dma_start3A_511] : memref<100000x128xf32, #tpu.memory_space<hbm>> -> memref<100000x128xf32, #tpu.memory_space<hbm>>
    tpu.enqueue_indirect_dma source(%dma_start3A_512 : memref<100000x128xf32, #tpu.memory_space<hbm>>) target(%dma_start3A_508 : memref<32x128xf32, #tpu.memory_space<vmem>>) offsets(%dma_start3A_509 : memref<32xi32, #tpu.memory_space<vmem>>) semaphore(%arg8 : memref<!tpu.dma_semaphore, #tpu.memory_space<semaphore_mem>>)
    %add3A_513 = arith.constant 8192 : i32
    %add3A_514 = arith.addi %add3A_513, %mul3A_2 : i32
    %dma_start3A_515 = arith.constant 256 : i32
    %dma_start3A_516 = arith.constant 0 : i32
    %dma_start3A_517 = tpu.memref_slice %arg6[%dma_start3A_515, %dma_start3A_516] : memref<640x128xf32, #tpu.memory_space<vmem>> -> memref<32x128xf32, #tpu.memory_space<vmem>>
    %dma_start3A_518 = tpu.memref_slice %arg5[%add3A_514] : memref<20480xi32, #tpu.memory_space<vmem>> -> memref<32xi32, #tpu.memory_space<vmem>>
    %dma_start3A_519 = arith.constant 0 : i32
    %dma_start3A_520 = arith.constant 0 : i32
    %dma_start3A_521 = tpu.memref_slice %arg2[%dma_start3A_519, %dma_start3A_520] : memref<100000x128xf32, #tpu.memory_space<hbm>> -> memref<100000x128xf32, #tpu.memory_space<hbm>>
    tpu.enqueue_indirect_dma source(%dma_start3A_521 : memref<100000x128xf32, #tpu.memory_space<hbm>>) target(%dma_start3A_517 : memref<32x128xf32, #tpu.memory_space<vmem>>) offsets(%dma_start3A_518 : memref<32xi32, #tpu.memory_space<vmem>>) semaphore(%arg8 : memref<!tpu.dma_semaphore, #tpu.memory_space<semaphore_mem>>)
    %add3A_522 = arith.constant 9216 : i32
    %add3A_523 = arith.addi %add3A_522, %mul3A_2 : i32
    %dma_start3A_524 = arith.constant 288 : i32
    %dma_start3A_525 = arith.constant 0 : i32
    %dma_start3A_526 = tpu.memref_slice %arg6[%dma_start3A_524, %dma_start3A_525] : memref<640x128xf32, #tpu.memory_space<vmem>> -> memref<32x128xf32, #tpu.memory_space<vmem>>
    %dma_start3A_527 = tpu.memref_slice %arg5[%add3A_523] : memref<20480xi32, #tpu.memory_space<vmem>> -> memref<32xi32, #tpu.memory_space<vmem>>
    %dma_start3A_528 = arith.constant 0 : i32
    %dma_start3A_529 = arith.constant 0 : i32
    %dma_start3A_530 = tpu.memref_slice %arg2[%dma_start3A_528, %dma_start3A_529] : memref<100000x128xf32, #tpu.memory_space<hbm>> -> memref<100000x128xf32, #tpu.memory_space<hbm>>
    tpu.enqueue_indirect_dma source(%dma_start3A_530 : memref<100000x128xf32, #tpu.memory_space<hbm>>) target(%dma_start3A_526 : memref<32x128xf32, #tpu.memory_space<vmem>>) offsets(%dma_start3A_527 : memref<32xi32, #tpu.memory_space<vmem>>) semaphore(%arg8 : memref<!tpu.dma_semaphore, #tpu.memory_space<semaphore_mem>>)
    %add3A_531 = arith.constant 10240 : i32
    %add3A_532 = arith.addi %add3A_531, %mul3A_2 : i32
    %dma_start3A_533 = arith.constant 320 : i32
    %dma_start3A_534 = arith.constant 0 : i32
    %dma_start3A_535 = tpu.memref_slice %arg6[%dma_start3A_533, %dma_start3A_534] : memref<640x128xf32, #tpu.memory_space<vmem>> -> memref<32x128xf32, #tpu.memory_space<vmem>>
    %dma_start3A_536 = tpu.memref_slice %arg5[%add3A_532] : memref<20480xi32, #tpu.memory_space<vmem>> -> memref<32xi32, #tpu.memory_space<vmem>>
    %dma_start3A_537 = arith.constant 0 : i32
    %dma_start3A_538 = arith.constant 0 : i32
    %dma_start3A_539 = tpu.memref_slice %arg2[%dma_start3A_537, %dma_start3A_538] : memref<100000x128xf32, #tpu.memory_space<hbm>> -> memref<100000x128xf32, #tpu.memory_space<hbm>>
    tpu.enqueue_indirect_dma source(%dma_start3A_539 : memref<100000x128xf32, #tpu.memory_space<hbm>>) target(%dma_start3A_535 : memref<32x128xf32, #tpu.memory_space<vmem>>) offsets(%dma_start3A_536 : memref<32xi32, #tpu.memory_space<vmem>>) semaphore(%arg8 : memref<!tpu.dma_semaphore, #tpu.memory_space<semaphore_mem>>)
    %add3A_540 = arith.constant 11264 : i32
    %add3A_541 = arith.addi %add3A_540, %mul3A_2 : i32
    %dma_start3A_542 = arith.constant 352 : i32
    %dma_start3A_543 = arith.constant 0 : i32
    %dma_start3A_544 = tpu.memref_slice %arg6[%dma_start3A_542, %dma_start3A_543] : memref<640x128xf32, #tpu.memory_space<vmem>> -> memref<32x128xf32, #tpu.memory_space<vmem>>
    %dma_start3A_545 = tpu.memref_slice %arg5[%add3A_541] : memref<20480xi32, #tpu.memory_space<vmem>> -> memref<32xi32, #tpu.memory_space<vmem>>
    %dma_start3A_546 = arith.constant 0 : i32
    %dma_start3A_547 = arith.constant 0 : i32
    %dma_start3A_548 = tpu.memref_slice %arg2[%dma_start3A_546, %dma_start3A_547] : memref<100000x128xf32, #tpu.memory_space<hbm>> -> memref<100000x128xf32, #tpu.memory_space<hbm>>
    tpu.enqueue_indirect_dma source(%dma_start3A_548 : memref<100000x128xf32, #tpu.memory_space<hbm>>) target(%dma_start3A_544 : memref<32x128xf32, #tpu.memory_space<vmem>>) offsets(%dma_start3A_545 : memref<32xi32, #tpu.memory_space<vmem>>) semaphore(%arg8 : memref<!tpu.dma_semaphore, #tpu.memory_space<semaphore_mem>>)
    %add3A_549 = arith.constant 12288 : i32
    %add3A_550 = arith.addi %add3A_549, %mul3A_2 : i32
    %dma_start3A_551 = arith.constant 384 : i32
    %dma_start3A_552 = arith.constant 0 : i32
    %dma_start3A_553 = tpu.memref_slice %arg6[%dma_start3A_551, %dma_start3A_552] : memref<640x128xf32, #tpu.memory_space<vmem>> -> memref<32x128xf32, #tpu.memory_space<vmem>>
    %dma_start3A_554 = tpu.memref_slice %arg5[%add3A_550] : memref<20480xi32, #tpu.memory_space<vmem>> -> memref<32xi32, #tpu.memory_space<vmem>>
    %dma_start3A_555 = arith.constant 0 : i32
    %dma_start3A_556 = arith.constant 0 : i32
    %dma_start3A_557 = tpu.memref_slice %arg2[%dma_start3A_555, %dma_start3A_556] : memref<100000x128xf32, #tpu.memory_space<hbm>> -> memref<100000x128xf32, #tpu.memory_space<hbm>>
    tpu.enqueue_indirect_dma source(%dma_start3A_557 : memref<100000x128xf32, #tpu.memory_space<hbm>>) target(%dma_start3A_553 : memref<32x128xf32, #tpu.memory_space<vmem>>) offsets(%dma_start3A_554 : memref<32xi32, #tpu.memory_space<vmem>>) semaphore(%arg8 : memref<!tpu.dma_semaphore, #tpu.memory_space<semaphore_mem>>)
    %add3A_558 = arith.constant 13312 : i32
    %add3A_559 = arith.addi %add3A_558, %mul3A_2 : i32
    %dma_start3A_560 = arith.constant 416 : i32
    %dma_start3A_561 = arith.constant 0 : i32
    %dma_start3A_562 = tpu.memref_slice %arg6[%dma_start3A_560, %dma_start3A_561] : memref<640x128xf32, #tpu.memory_space<vmem>> -> memref<32x128xf32, #tpu.memory_space<vmem>>
    %dma_start3A_563 = tpu.memref_slice %arg5[%add3A_559] : memref<20480xi32, #tpu.memory_space<vmem>> -> memref<32xi32, #tpu.memory_space<vmem>>
    %dma_start3A_564 = arith.constant 0 : i32
    %dma_start3A_565 = arith.constant 0 : i32
    %dma_start3A_566 = tpu.memref_slice %arg2[%dma_start3A_564, %dma_start3A_565] : memref<100000x128xf32, #tpu.memory_space<hbm>> -> memref<100000x128xf32, #tpu.memory_space<hbm>>
    tpu.enqueue_indirect_dma source(%dma_start3A_566 : memref<100000x128xf32, #tpu.memory_space<hbm>>) target(%dma_start3A_562 : memref<32x128xf32, #tpu.memory_space<vmem>>) offsets(%dma_start3A_563 : memref<32xi32, #tpu.memory_space<vmem>>) semaphore(%arg8 : memref<!tpu.dma_semaphore, #tpu.memory_space<semaphore_mem>>)
    %add3A_567 = arith.constant 14336 : i32
    %add3A_568 = arith.addi %add3A_567, %mul3A_2 : i32
    %dma_start3A_569 = arith.constant 448 : i32
    %dma_start3A_570 = arith.constant 0 : i32
    %dma_start3A_571 = tpu.memref_slice %arg6[%dma_start3A_569, %dma_start3A_570] : memref<640x128xf32, #tpu.memory_space<vmem>> -> memref<32x128xf32, #tpu.memory_space<vmem>>
    %dma_start3A_572 = tpu.memref_slice %arg5[%add3A_568] : memref<20480xi32, #tpu.memory_space<vmem>> -> memref<32xi32, #tpu.memory_space<vmem>>
    %dma_start3A_573 = arith.constant 0 : i32
    %dma_start3A_574 = arith.constant 0 : i32
    %dma_start3A_575 = tpu.memref_slice %arg2[%dma_start3A_573, %dma_start3A_574] : memref<100000x128xf32, #tpu.memory_space<hbm>> -> memref<100000x128xf32, #tpu.memory_space<hbm>>
    tpu.enqueue_indirect_dma source(%dma_start3A_575 : memref<100000x128xf32, #tpu.memory_space<hbm>>) target(%dma_start3A_571 : memref<32x128xf32, #tpu.memory_space<vmem>>) offsets(%dma_start3A_572 : memref<32xi32, #tpu.memory_space<vmem>>) semaphore(%arg8 : memref<!tpu.dma_semaphore, #tpu.memory_space<semaphore_mem>>)
    %add3A_576 = arith.constant 15360 : i32
    %add3A_577 = arith.addi %add3A_576, %mul3A_2 : i32
    %dma_start3A_578 = arith.constant 480 : i32
    %dma_start3A_579 = arith.constant 0 : i32
    %dma_start3A_580 = tpu.memref_slice %arg6[%dma_start3A_578, %dma_start3A_579] : memref<640x128xf32, #tpu.memory_space<vmem>> -> memref<32x128xf32, #tpu.memory_space<vmem>>
    %dma_start3A_581 = tpu.memref_slice %arg5[%add3A_577] : memref<20480xi32, #tpu.memory_space<vmem>> -> memref<32xi32, #tpu.memory_space<vmem>>
    %dma_start3A_582 = arith.constant 0 : i32
    %dma_start3A_583 = arith.constant 0 : i32
    %dma_start3A_584 = tpu.memref_slice %arg2[%dma_start3A_582, %dma_start3A_583] : memref<100000x128xf32, #tpu.memory_space<hbm>> -> memref<100000x128xf32, #tpu.memory_space<hbm>>
    tpu.enqueue_indirect_dma source(%dma_start3A_584 : memref<100000x128xf32, #tpu.memory_space<hbm>>) target(%dma_start3A_580 : memref<32x128xf32, #tpu.memory_space<vmem>>) offsets(%dma_start3A_581 : memref<32xi32, #tpu.memory_space<vmem>>) semaphore(%arg8 : memref<!tpu.dma_semaphore, #tpu.memory_space<semaphore_mem>>)
    %add3A_585 = arith.constant 16384 : i32
    %add3A_586 = arith.addi %add3A_585, %mul3A_2 : i32
    %dma_start3A_587 = arith.constant 512 : i32
    %dma_start3A_588 = arith.constant 0 : i32
    %dma_start3A_589 = tpu.memref_slice %arg6[%dma_start3A_587, %dma_start3A_588] : memref<640x128xf32, #tpu.memory_space<vmem>> -> memref<32x128xf32, #tpu.memory_space<vmem>>
    %dma_start3A_590 = tpu.memref_slice %arg5[%add3A_586] : memref<20480xi32, #tpu.memory_space<vmem>> -> memref<32xi32, #tpu.memory_space<vmem>>
    %dma_start3A_591 = arith.constant 0 : i32
    %dma_start3A_592 = arith.constant 0 : i32
    %dma_start3A_593 = tpu.memref_slice %arg2[%dma_start3A_591, %dma_start3A_592] : memref<100000x128xf32, #tpu.memory_space<hbm>> -> memref<100000x128xf32, #tpu.memory_space<hbm>>
    tpu.enqueue_indirect_dma source(%dma_start3A_593 : memref<100000x128xf32, #tpu.memory_space<hbm>>) target(%dma_start3A_589 : memref<32x128xf32, #tpu.memory_space<vmem>>) offsets(%dma_start3A_590 : memref<32xi32, #tpu.memory_space<vmem>>) semaphore(%arg8 : memref<!tpu.dma_semaphore, #tpu.memory_space<semaphore_mem>>)
    %add3A_594 = arith.constant 17408 : i32
    %add3A_595 = arith.addi %add3A_594, %mul3A_2 : i32
    %dma_start3A_596 = arith.constant 544 : i32
    %dma_start3A_597 = arith.constant 0 : i32
    %dma_start3A_598 = tpu.memref_slice %arg6[%dma_start3A_596, %dma_start3A_597] : memref<640x128xf32, #tpu.memory_space<vmem>> -> memref<32x128xf32, #tpu.memory_space<vmem>>
    %dma_start3A_599 = tpu.memref_slice %arg5[%add3A_595] : memref<20480xi32, #tpu.memory_space<vmem>> -> memref<32xi32, #tpu.memory_space<vmem>>
    %dma_start3A_600 = arith.constant 0 : i32
    %dma_start3A_601 = arith.constant 0 : i32
    %dma_start3A_602 = tpu.memref_slice %arg2[%dma_start3A_600, %dma_start3A_601] : memref<100000x128xf32, #tpu.memory_space<hbm>> -> memref<100000x128xf32, #tpu.memory_space<hbm>>
    tpu.enqueue_indirect_dma source(%dma_start3A_602 : memref<100000x128xf32, #tpu.memory_space<hbm>>) target(%dma_start3A_598 : memref<32x128xf32, #tpu.memory_space<vmem>>) offsets(%dma_start3A_599 : memref<32xi32, #tpu.memory_space<vmem>>) semaphore(%arg8 : memref<!tpu.dma_semaphore, #tpu.memory_space<semaphore_mem>>)
    %add3A_603 = arith.constant 18432 : i32
    %add3A_604 = arith.addi %add3A_603, %mul3A_2 : i32
    %dma_start3A_605 = arith.constant 576 : i32
    %dma_start3A_606 = arith.constant 0 : i32
    %dma_start3A_607 = tpu.memref_slice %arg6[%dma_start3A_605, %dma_start3A_606] : memref<640x128xf32, #tpu.memory_space<vmem>> -> memref<32x128xf32, #tpu.memory_space<vmem>>
    %dma_start3A_608 = tpu.memref_slice %arg5[%add3A_604] : memref<20480xi32, #tpu.memory_space<vmem>> -> memref<32xi32, #tpu.memory_space<vmem>>
    %dma_start3A_609 = arith.constant 0 : i32
    %dma_start3A_610 = arith.constant 0 : i32
    %dma_start3A_611 = tpu.memref_slice %arg2[%dma_start3A_609, %dma_start3A_610] : memref<100000x128xf32, #tpu.memory_space<hbm>> -> memref<100000x128xf32, #tpu.memory_space<hbm>>
    tpu.enqueue_indirect_dma source(%dma_start3A_611 : memref<100000x128xf32, #tpu.memory_space<hbm>>) target(%dma_start3A_607 : memref<32x128xf32, #tpu.memory_space<vmem>>) offsets(%dma_start3A_608 : memref<32xi32, #tpu.memory_space<vmem>>) semaphore(%arg8 : memref<!tpu.dma_semaphore, #tpu.memory_space<semaphore_mem>>)
    %add3A_612 = arith.constant 19456 : i32
    %add3A_613 = arith.addi %add3A_612, %mul3A_2 : i32
    %dma_start3A_614 = arith.constant 608 : i32
    %dma_start3A_615 = arith.constant 0 : i32
    %dma_start3A_616 = tpu.memref_slice %arg6[%dma_start3A_614, %dma_start3A_615] : memref<640x128xf32, #tpu.memory_space<vmem>> -> memref<32x128xf32, #tpu.memory_space<vmem>>
    %dma_start3A_617 = tpu.memref_slice %arg5[%add3A_613] : memref<20480xi32, #tpu.memory_space<vmem>> -> memref<32xi32, #tpu.memory_space<vmem>>
    %dma_start3A_618 = arith.constant 0 : i32
    %dma_start3A_619 = arith.constant 0 : i32
    %dma_start3A_620 = tpu.memref_slice %arg2[%dma_start3A_618, %dma_start3A_619] : memref<100000x128xf32, #tpu.memory_space<hbm>> -> memref<100000x128xf32, #tpu.memory_space<hbm>>
    tpu.enqueue_indirect_dma source(%dma_start3A_620 : memref<100000x128xf32, #tpu.memory_space<hbm>>) target(%dma_start3A_616 : memref<32x128xf32, #tpu.memory_space<vmem>>) offsets(%dma_start3A_617 : memref<32xi32, #tpu.memory_space<vmem>>) semaphore(%arg8 : memref<!tpu.dma_semaphore, #tpu.memory_space<semaphore_mem>>)
    %dma_wait3A_621 = arith.constant 0 : i32
    %dma_wait3A_622 = arith.constant 0 : i32
    %dma_wait3A_623 = tpu.memref_slice %arg6[%dma_wait3A_621, %dma_wait3A_622] : memref<640x128xf32, #tpu.memory_space<vmem>> -> memref<32x128xf32, #tpu.memory_space<vmem>>
    %dma_wait3A_624 = tpu.memref_slice %arg5[%add3A_442] : memref<20480xi32, #tpu.memory_space<vmem>> -> memref<32xi32, #tpu.memory_space<vmem>>
    %dma_wait3A_625 = arith.constant 0 : i32
    %dma_wait3A_626 = arith.constant 0 : i32
    %dma_wait3A_627 = tpu.memref_slice %arg2[%dma_wait3A_625, %dma_wait3A_626] : memref<100000x128xf32, #tpu.memory_space<hbm>> -> memref<100000x128xf32, #tpu.memory_space<hbm>>
    tpu.wait_indirect_dma semaphore(%arg8 : memref<!tpu.dma_semaphore, #tpu.memory_space<semaphore_mem>>) src(%dma_wait3A_627 : memref<100000x128xf32, #tpu.memory_space<hbm>>) dst(%dma_wait3A_623 : memref<32x128xf32, #tpu.memory_space<vmem>>)
    %dma_wait3A_628 = arith.constant 32 : i32
    %dma_wait3A_629 = arith.constant 0 : i32
    %dma_wait3A_630 = tpu.memref_slice %arg6[%dma_wait3A_628, %dma_wait3A_629] : memref<640x128xf32, #tpu.memory_space<vmem>> -> memref<32x128xf32, #tpu.memory_space<vmem>>
    %dma_wait3A_631 = tpu.memref_slice %arg5[%add3A_451] : memref<20480xi32, #tpu.memory_space<vmem>> -> memref<32xi32, #tpu.memory_space<vmem>>
    %dma_wait3A_632 = arith.constant 0 : i32
    %dma_wait3A_633 = arith.constant 0 : i32
    %dma_wait3A_634 = tpu.memref_slice %arg2[%dma_wait3A_632, %dma_wait3A_633] : memref<100000x128xf32, #tpu.memory_space<hbm>> -> memref<100000x128xf32, #tpu.memory_space<hbm>>
    tpu.wait_indirect_dma semaphore(%arg8 : memref<!tpu.dma_semaphore, #tpu.memory_space<semaphore_mem>>) src(%dma_wait3A_634 : memref<100000x128xf32, #tpu.memory_space<hbm>>) dst(%dma_wait3A_630 : memref<32x128xf32, #tpu.memory_space<vmem>>)
    %dma_wait3A_635 = arith.constant 64 : i32
    %dma_wait3A_636 = arith.constant 0 : i32
    %dma_wait3A_637 = tpu.memref_slice %arg6[%dma_wait3A_635, %dma_wait3A_636] : memref<640x128xf32, #tpu.memory_space<vmem>> -> memref<32x128xf32, #tpu.memory_space<vmem>>
    %dma_wait3A_638 = tpu.memref_slice %arg5[%add3A_460] : memref<20480xi32, #tpu.memory_space<vmem>> -> memref<32xi32, #tpu.memory_space<vmem>>
    %dma_wait3A_639 = arith.constant 0 : i32
    %dma_wait3A_640 = arith.constant 0 : i32
    %dma_wait3A_641 = tpu.memref_slice %arg2[%dma_wait3A_639, %dma_wait3A_640] : memref<100000x128xf32, #tpu.memory_space<hbm>> -> memref<100000x128xf32, #tpu.memory_space<hbm>>
    tpu.wait_indirect_dma semaphore(%arg8 : memref<!tpu.dma_semaphore, #tpu.memory_space<semaphore_mem>>) src(%dma_wait3A_641 : memref<100000x128xf32, #tpu.memory_space<hbm>>) dst(%dma_wait3A_637 : memref<32x128xf32, #tpu.memory_space<vmem>>)
    %dma_wait3A_642 = arith.constant 96 : i32
    %dma_wait3A_643 = arith.constant 0 : i32
    %dma_wait3A_644 = tpu.memref_slice %arg6[%dma_wait3A_642, %dma_wait3A_643] : memref<640x128xf32, #tpu.memory_space<vmem>> -> memref<32x128xf32, #tpu.memory_space<vmem>>
    %dma_wait3A_645 = tpu.memref_slice %arg5[%add3A_469] : memref<20480xi32, #tpu.memory_space<vmem>> -> memref<32xi32, #tpu.memory_space<vmem>>
    %dma_wait3A_646 = arith.constant 0 : i32
    %dma_wait3A_647 = arith.constant 0 : i32
    %dma_wait3A_648 = tpu.memref_slice %arg2[%dma_wait3A_646, %dma_wait3A_647] : memref<100000x128xf32, #tpu.memory_space<hbm>> -> memref<100000x128xf32, #tpu.memory_space<hbm>>
    tpu.wait_indirect_dma semaphore(%arg8 : memref<!tpu.dma_semaphore, #tpu.memory_space<semaphore_mem>>) src(%dma_wait3A_648 : memref<100000x128xf32, #tpu.memory_space<hbm>>) dst(%dma_wait3A_644 : memref<32x128xf32, #tpu.memory_space<vmem>>)
    %dma_wait3A_649 = arith.constant 128 : i32
    %dma_wait3A_650 = arith.constant 0 : i32
    %dma_wait3A_651 = tpu.memref_slice %arg6[%dma_wait3A_649, %dma_wait3A_650] : memref<640x128xf32, #tpu.memory_space<vmem>> -> memref<32x128xf32, #tpu.memory_space<vmem>>
    %dma_wait3A_652 = tpu.memref_slice %arg5[%add3A_478] : memref<20480xi32, #tpu.memory_space<vmem>> -> memref<32xi32, #tpu.memory_space<vmem>>
    %dma_wait3A_653 = arith.constant 0 : i32
    %dma_wait3A_654 = arith.constant 0 : i32
    %dma_wait3A_655 = tpu.memref_slice %arg2[%dma_wait3A_653, %dma_wait3A_654] : memref<100000x128xf32, #tpu.memory_space<hbm>> -> memref<100000x128xf32, #tpu.memory_space<hbm>>
    tpu.wait_indirect_dma semaphore(%arg8 : memref<!tpu.dma_semaphore, #tpu.memory_space<semaphore_mem>>) src(%dma_wait3A_655 : memref<100000x128xf32, #tpu.memory_space<hbm>>) dst(%dma_wait3A_651 : memref<32x128xf32, #tpu.memory_space<vmem>>)
    %dma_wait3A_656 = arith.constant 160 : i32
    %dma_wait3A_657 = arith.constant 0 : i32
    %dma_wait3A_658 = tpu.memref_slice %arg6[%dma_wait3A_656, %dma_wait3A_657] : memref<640x128xf32, #tpu.memory_space<vmem>> -> memref<32x128xf32, #tpu.memory_space<vmem>>
    %dma_wait3A_659 = tpu.memref_slice %arg5[%add3A_487] : memref<20480xi32, #tpu.memory_space<vmem>> -> memref<32xi32, #tpu.memory_space<vmem>>
    %dma_wait3A_660 = arith.constant 0 : i32
    %dma_wait3A_661 = arith.constant 0 : i32
    %dma_wait3A_662 = tpu.memref_slice %arg2[%dma_wait3A_660, %dma_wait3A_661] : memref<100000x128xf32, #tpu.memory_space<hbm>> -> memref<100000x128xf32, #tpu.memory_space<hbm>>
    tpu.wait_indirect_dma semaphore(%arg8 : memref<!tpu.dma_semaphore, #tpu.memory_space<semaphore_mem>>) src(%dma_wait3A_662 : memref<100000x128xf32, #tpu.memory_space<hbm>>) dst(%dma_wait3A_658 : memref<32x128xf32, #tpu.memory_space<vmem>>)
    %dma_wait3A_663 = arith.constant 192 : i32
    %dma_wait3A_664 = arith.constant 0 : i32
    %dma_wait3A_665 = tpu.memref_slice %arg6[%dma_wait3A_663, %dma_wait3A_664] : memref<640x128xf32, #tpu.memory_space<vmem>> -> memref<32x128xf32, #tpu.memory_space<vmem>>
    %dma_wait3A_666 = tpu.memref_slice %arg5[%add3A_496] : memref<20480xi32, #tpu.memory_space<vmem>> -> memref<32xi32, #tpu.memory_space<vmem>>
    %dma_wait3A_667 = arith.constant 0 : i32
    %dma_wait3A_668 = arith.constant 0 : i32
    %dma_wait3A_669 = tpu.memref_slice %arg2[%dma_wait3A_667, %dma_wait3A_668] : memref<100000x128xf32, #tpu.memory_space<hbm>> -> memref<100000x128xf32, #tpu.memory_space<hbm>>
    tpu.wait_indirect_dma semaphore(%arg8 : memref<!tpu.dma_semaphore, #tpu.memory_space<semaphore_mem>>) src(%dma_wait3A_669 : memref<100000x128xf32, #tpu.memory_space<hbm>>) dst(%dma_wait3A_665 : memref<32x128xf32, #tpu.memory_space<vmem>>)
    %dma_wait3A_670 = arith.constant 224 : i32
    %dma_wait3A_671 = arith.constant 0 : i32
    %dma_wait3A_672 = tpu.memref_slice %arg6[%dma_wait3A_670, %dma_wait3A_671] : memref<640x128xf32, #tpu.memory_space<vmem>> -> memref<32x128xf32, #tpu.memory_space<vmem>>
    %dma_wait3A_673 = tpu.memref_slice %arg5[%add3A_505] : memref<20480xi32, #tpu.memory_space<vmem>> -> memref<32xi32, #tpu.memory_space<vmem>>
    %dma_wait3A_674 = arith.constant 0 : i32
    %dma_wait3A_675 = arith.constant 0 : i32
    %dma_wait3A_676 = tpu.memref_slice %arg2[%dma_wait3A_674, %dma_wait3A_675] : memref<100000x128xf32, #tpu.memory_space<hbm>> -> memref<100000x128xf32, #tpu.memory_space<hbm>>
    tpu.wait_indirect_dma semaphore(%arg8 : memref<!tpu.dma_semaphore, #tpu.memory_space<semaphore_mem>>) src(%dma_wait3A_676 : memref<100000x128xf32, #tpu.memory_space<hbm>>) dst(%dma_wait3A_672 : memref<32x128xf32, #tpu.memory_space<vmem>>)
    %dma_wait3A_677 = arith.constant 256 : i32
    %dma_wait3A_678 = arith.constant 0 : i32
    %dma_wait3A_679 = tpu.memref_slice %arg6[%dma_wait3A_677, %dma_wait3A_678] : memref<640x128xf32, #tpu.memory_space<vmem>> -> memref<32x128xf32, #tpu.memory_space<vmem>>
    %dma_wait3A_680 = tpu.memref_slice %arg5[%add3A_514] : memref<20480xi32, #tpu.memory_space<vmem>> -> memref<32xi32, #tpu.memory_space<vmem>>
    %dma_wait3A_681 = arith.constant 0 : i32
    %dma_wait3A_682 = arith.constant 0 : i32
    %dma_wait3A_683 = tpu.memref_slice %arg2[%dma_wait3A_681, %dma_wait3A_682] : memref<100000x128xf32, #tpu.memory_space<hbm>> -> memref<100000x128xf32, #tpu.memory_space<hbm>>
    tpu.wait_indirect_dma semaphore(%arg8 : memref<!tpu.dma_semaphore, #tpu.memory_space<semaphore_mem>>) src(%dma_wait3A_683 : memref<100000x128xf32, #tpu.memory_space<hbm>>) dst(%dma_wait3A_679 : memref<32x128xf32, #tpu.memory_space<vmem>>)
    %dma_wait3A_684 = arith.constant 288 : i32
    %dma_wait3A_685 = arith.constant 0 : i32
    %dma_wait3A_686 = tpu.memref_slice %arg6[%dma_wait3A_684, %dma_wait3A_685] : memref<640x128xf32, #tpu.memory_space<vmem>> -> memref<32x128xf32, #tpu.memory_space<vmem>>
    %dma_wait3A_687 = tpu.memref_slice %arg5[%add3A_523] : memref<20480xi32, #tpu.memory_space<vmem>> -> memref<32xi32, #tpu.memory_space<vmem>>
    %dma_wait3A_688 = arith.constant 0 : i32
    %dma_wait3A_689 = arith.constant 0 : i32
    %dma_wait3A_690 = tpu.memref_slice %arg2[%dma_wait3A_688, %dma_wait3A_689] : memref<100000x128xf32, #tpu.memory_space<hbm>> -> memref<100000x128xf32, #tpu.memory_space<hbm>>
    tpu.wait_indirect_dma semaphore(%arg8 : memref<!tpu.dma_semaphore, #tpu.memory_space<semaphore_mem>>) src(%dma_wait3A_690 : memref<100000x128xf32, #tpu.memory_space<hbm>>) dst(%dma_wait3A_686 : memref<32x128xf32, #tpu.memory_space<vmem>>)
    %dma_wait3A_691 = arith.constant 320 : i32
    %dma_wait3A_692 = arith.constant 0 : i32
    %dma_wait3A_693 = tpu.memref_slice %arg6[%dma_wait3A_691, %dma_wait3A_692] : memref<640x128xf32, #tpu.memory_space<vmem>> -> memref<32x128xf32, #tpu.memory_space<vmem>>
    %dma_wait3A_694 = tpu.memref_slice %arg5[%add3A_532] : memref<20480xi32, #tpu.memory_space<vmem>> -> memref<32xi32, #tpu.memory_space<vmem>>
    %dma_wait3A_695 = arith.constant 0 : i32
    %dma_wait3A_696 = arith.constant 0 : i32
    %dma_wait3A_697 = tpu.memref_slice %arg2[%dma_wait3A_695, %dma_wait3A_696] : memref<100000x128xf32, #tpu.memory_space<hbm>> -> memref<100000x128xf32, #tpu.memory_space<hbm>>
    tpu.wait_indirect_dma semaphore(%arg8 : memref<!tpu.dma_semaphore, #tpu.memory_space<semaphore_mem>>) src(%dma_wait3A_697 : memref<100000x128xf32, #tpu.memory_space<hbm>>) dst(%dma_wait3A_693 : memref<32x128xf32, #tpu.memory_space<vmem>>)
    %dma_wait3A_698 = arith.constant 352 : i32
    %dma_wait3A_699 = arith.constant 0 : i32
    %dma_wait3A_700 = tpu.memref_slice %arg6[%dma_wait3A_698, %dma_wait3A_699] : memref<640x128xf32, #tpu.memory_space<vmem>> -> memref<32x128xf32, #tpu.memory_space<vmem>>
    %dma_wait3A_701 = tpu.memref_slice %arg5[%add3A_541] : memref<20480xi32, #tpu.memory_space<vmem>> -> memref<32xi32, #tpu.memory_space<vmem>>
    %dma_wait3A_702 = arith.constant 0 : i32
    %dma_wait3A_703 = arith.constant 0 : i32
    %dma_wait3A_704 = tpu.memref_slice %arg2[%dma_wait3A_702, %dma_wait3A_703] : memref<100000x128xf32, #tpu.memory_space<hbm>> -> memref<100000x128xf32, #tpu.memory_space<hbm>>
    tpu.wait_indirect_dma semaphore(%arg8 : memref<!tpu.dma_semaphore, #tpu.memory_space<semaphore_mem>>) src(%dma_wait3A_704 : memref<100000x128xf32, #tpu.memory_space<hbm>>) dst(%dma_wait3A_700 : memref<32x128xf32, #tpu.memory_space<vmem>>)
    %dma_wait3A_705 = arith.constant 384 : i32
    %dma_wait3A_706 = arith.constant 0 : i32
    %dma_wait3A_707 = tpu.memref_slice %arg6[%dma_wait3A_705, %dma_wait3A_706] : memref<640x128xf32, #tpu.memory_space<vmem>> -> memref<32x128xf32, #tpu.memory_space<vmem>>
    %dma_wait3A_708 = tpu.memref_slice %arg5[%add3A_550] : memref<20480xi32, #tpu.memory_space<vmem>> -> memref<32xi32, #tpu.memory_space<vmem>>
    %dma_wait3A_709 = arith.constant 0 : i32
    %dma_wait3A_710 = arith.constant 0 : i32
    %dma_wait3A_711 = tpu.memref_slice %arg2[%dma_wait3A_709, %dma_wait3A_710] : memref<100000x128xf32, #tpu.memory_space<hbm>> -> memref<100000x128xf32, #tpu.memory_space<hbm>>
    tpu.wait_indirect_dma semaphore(%arg8 : memref<!tpu.dma_semaphore, #tpu.memory_space<semaphore_mem>>) src(%dma_wait3A_711 : memref<100000x128xf32, #tpu.memory_space<hbm>>) dst(%dma_wait3A_707 : memref<32x128xf32, #tpu.memory_space<vmem>>)
    %dma_wait3A_712 = arith.constant 416 : i32
    %dma_wait3A_713 = arith.constant 0 : i32
    %dma_wait3A_714 = tpu.memref_slice %arg6[%dma_wait3A_712, %dma_wait3A_713] : memref<640x128xf32, #tpu.memory_space<vmem>> -> memref<32x128xf32, #tpu.memory_space<vmem>>
    %dma_wait3A_715 = tpu.memref_slice %arg5[%add3A_559] : memref<20480xi32, #tpu.memory_space<vmem>> -> memref<32xi32, #tpu.memory_space<vmem>>
    %dma_wait3A_716 = arith.constant 0 : i32
    %dma_wait3A_717 = arith.constant 0 : i32
    %dma_wait3A_718 = tpu.memref_slice %arg2[%dma_wait3A_716, %dma_wait3A_717] : memref<100000x128xf32, #tpu.memory_space<hbm>> -> memref<100000x128xf32, #tpu.memory_space<hbm>>
    tpu.wait_indirect_dma semaphore(%arg8 : memref<!tpu.dma_semaphore, #tpu.memory_space<semaphore_mem>>) src(%dma_wait3A_718 : memref<100000x128xf32, #tpu.memory_space<hbm>>) dst(%dma_wait3A_714 : memref<32x128xf32, #tpu.memory_space<vmem>>)
    %dma_wait3A_719 = arith.constant 448 : i32
    %dma_wait3A_720 = arith.constant 0 : i32
    %dma_wait3A_721 = tpu.memref_slice %arg6[%dma_wait3A_719, %dma_wait3A_720] : memref<640x128xf32, #tpu.memory_space<vmem>> -> memref<32x128xf32, #tpu.memory_space<vmem>>
    %dma_wait3A_722 = tpu.memref_slice %arg5[%add3A_568] : memref<20480xi32, #tpu.memory_space<vmem>> -> memref<32xi32, #tpu.memory_space<vmem>>
    %dma_wait3A_723 = arith.constant 0 : i32
    %dma_wait3A_724 = arith.constant 0 : i32
    %dma_wait3A_725 = tpu.memref_slice %arg2[%dma_wait3A_723, %dma_wait3A_724] : memref<100000x128xf32, #tpu.memory_space<hbm>> -> memref<100000x128xf32, #tpu.memory_space<hbm>>
    tpu.wait_indirect_dma semaphore(%arg8 : memref<!tpu.dma_semaphore, #tpu.memory_space<semaphore_mem>>) src(%dma_wait3A_725 : memref<100000x128xf32, #tpu.memory_space<hbm>>) dst(%dma_wait3A_721 : memref<32x128xf32, #tpu.memory_space<vmem>>)
    %dma_wait3A_726 = arith.constant 480 : i32
    %dma_wait3A_727 = arith.constant 0 : i32
    %dma_wait3A_728 = tpu.memref_slice %arg6[%dma_wait3A_726, %dma_wait3A_727] : memref<640x128xf32, #tpu.memory_space<vmem>> -> memref<32x128xf32, #tpu.memory_space<vmem>>
    %dma_wait3A_729 = tpu.memref_slice %arg5[%add3A_577] : memref<20480xi32, #tpu.memory_space<vmem>> -> memref<32xi32, #tpu.memory_space<vmem>>
    %dma_wait3A_730 = arith.constant 0 : i32
    %dma_wait3A_731 = arith.constant 0 : i32
    %dma_wait3A_732 = tpu.memref_slice %arg2[%dma_wait3A_730, %dma_wait3A_731] : memref<100000x128xf32, #tpu.memory_space<hbm>> -> memref<100000x128xf32, #tpu.memory_space<hbm>>
    tpu.wait_indirect_dma semaphore(%arg8 : memref<!tpu.dma_semaphore, #tpu.memory_space<semaphore_mem>>) src(%dma_wait3A_732 : memref<100000x128xf32, #tpu.memory_space<hbm>>) dst(%dma_wait3A_728 : memref<32x128xf32, #tpu.memory_space<vmem>>)
    %dma_wait3A_733 = arith.constant 512 : i32
    %dma_wait3A_734 = arith.constant 0 : i32
    %dma_wait3A_735 = tpu.memref_slice %arg6[%dma_wait3A_733, %dma_wait3A_734] : memref<640x128xf32, #tpu.memory_space<vmem>> -> memref<32x128xf32, #tpu.memory_space<vmem>>
    %dma_wait3A_736 = tpu.memref_slice %arg5[%add3A_586] : memref<20480xi32, #tpu.memory_space<vmem>> -> memref<32xi32, #tpu.memory_space<vmem>>
    %dma_wait3A_737 = arith.constant 0 : i32
    %dma_wait3A_738 = arith.constant 0 : i32
    %dma_wait3A_739 = tpu.memref_slice %arg2[%dma_wait3A_737, %dma_wait3A_738] : memref<100000x128xf32, #tpu.memory_space<hbm>> -> memref<100000x128xf32, #tpu.memory_space<hbm>>
    tpu.wait_indirect_dma semaphore(%arg8 : memref<!tpu.dma_semaphore, #tpu.memory_space<semaphore_mem>>) src(%dma_wait3A_739 : memref<100000x128xf32, #tpu.memory_space<hbm>>) dst(%dma_wait3A_735 : memref<32x128xf32, #tpu.memory_space<vmem>>)
    %dma_wait3A_740 = arith.constant 544 : i32
    %dma_wait3A_741 = arith.constant 0 : i32
    %dma_wait3A_742 = tpu.memref_slice %arg6[%dma_wait3A_740, %dma_wait3A_741] : memref<640x128xf32, #tpu.memory_space<vmem>> -> memref<32x128xf32, #tpu.memory_space<vmem>>
    %dma_wait3A_743 = tpu.memref_slice %arg5[%add3A_595] : memref<20480xi32, #tpu.memory_space<vmem>> -> memref<32xi32, #tpu.memory_space<vmem>>
    %dma_wait3A_744 = arith.constant 0 : i32
    %dma_wait3A_745 = arith.constant 0 : i32
    %dma_wait3A_746 = tpu.memref_slice %arg2[%dma_wait3A_744, %dma_wait3A_745] : memref<100000x128xf32, #tpu.memory_space<hbm>> -> memref<100000x128xf32, #tpu.memory_space<hbm>>
    tpu.wait_indirect_dma semaphore(%arg8 : memref<!tpu.dma_semaphore, #tpu.memory_space<semaphore_mem>>) src(%dma_wait3A_746 : memref<100000x128xf32, #tpu.memory_space<hbm>>) dst(%dma_wait3A_742 : memref<32x128xf32, #tpu.memory_space<vmem>>)
    %dma_wait3A_747 = arith.constant 576 : i32
    %dma_wait3A_748 = arith.constant 0 : i32
    %dma_wait3A_749 = tpu.memref_slice %arg6[%dma_wait3A_747, %dma_wait3A_748] : memref<640x128xf32, #tpu.memory_space<vmem>> -> memref<32x128xf32, #tpu.memory_space<vmem>>
    %dma_wait3A_750 = tpu.memref_slice %arg5[%add3A_604] : memref<20480xi32, #tpu.memory_space<vmem>> -> memref<32xi32, #tpu.memory_space<vmem>>
    %dma_wait3A_751 = arith.constant 0 : i32
    %dma_wait3A_752 = arith.constant 0 : i32
    %dma_wait3A_753 = tpu.memref_slice %arg2[%dma_wait3A_751, %dma_wait3A_752] : memref<100000x128xf32, #tpu.memory_space<hbm>> -> memref<100000x128xf32, #tpu.memory_space<hbm>>
    tpu.wait_indirect_dma semaphore(%arg8 : memref<!tpu.dma_semaphore, #tpu.memory_space<semaphore_mem>>) src(%dma_wait3A_753 : memref<100000x128xf32, #tpu.memory_space<hbm>>) dst(%dma_wait3A_749 : memref<32x128xf32, #tpu.memory_space<vmem>>)
    %dma_wait3A_754 = arith.constant 608 : i32
    %dma_wait3A_755 = arith.constant 0 : i32
    %dma_wait3A_756 = tpu.memref_slice %arg6[%dma_wait3A_754, %dma_wait3A_755] : memref<640x128xf32, #tpu.memory_space<vmem>> -> memref<32x128xf32, #tpu.memory_space<vmem>>
    %dma_wait3A_757 = tpu.memref_slice %arg5[%add3A_613] : memref<20480xi32, #tpu.memory_space<vmem>> -> memref<32xi32, #tpu.memory_space<vmem>>
    %dma_wait3A_758 = arith.constant 0 : i32
    %dma_wait3A_759 = arith.constant 0 : i32
    %dma_wait3A_760 = tpu.memref_slice %arg2[%dma_wait3A_758, %dma_wait3A_759] : memref<100000x128xf32, #tpu.memory_space<hbm>> -> memref<100000x128xf32, #tpu.memory_space<hbm>>
    tpu.wait_indirect_dma semaphore(%arg8 : memref<!tpu.dma_semaphore, #tpu.memory_space<semaphore_mem>>) src(%dma_wait3A_760 : memref<100000x128xf32, #tpu.memory_space<hbm>>) dst(%dma_wait3A_756 : memref<32x128xf32, #tpu.memory_space<vmem>>)
    %scan3A = arith.constant 0 : i32
    %scan3A_761 = arith.constant 0 : i32
    %scan3A_762 = arith.constant 32 : i32
    %scan3A_763 = arith.addi %scan3A_761, %scan3A_762 : i32
    %scan3A_764 = arith.constant 1 : i32
    scf.for %scan3A_766 = %scan3A_761 to %scan3A_763 step %scan3A_764  : i32 {
      %get3A = arith.index_cast %scan3A_766 : i32 to index
      %get3A_767 = arith.constant 0 : index
      %get3A_768 = tpu.vector_load %arg6[%get3A, %get3A_767] {strides = array<i32>} : memref<640x128xf32, #tpu.memory_space<vmem>>, vector<1x16xf32>,
      %get3A_769 = vector.shape_cast %get3A_768 : vector<1x16xf32> to vector<16xf32>
      %get3A_770 = arith.index_cast %scan3A_766 : i32 to index
      %get3A_771 = arith.constant 16 : index
      %get3A_772 = tpu.vector_load %arg6[%get3A_770, %get3A_771] {strides = array<i32>} : memref<640x128xf32, #tpu.memory_space<vmem>>, vector<1x16xf32>,
      %get3A_773 = vector.shape_cast %get3A_772 : vector<1x16xf32> to vector<16xf32>
      %add3A_774 = arith.constant 32 : i32
      %add3A_775 = arith.addi %add3A_774, %scan3A_766 : i32
      %get3A_776 = arith.index_cast %add3A_775 : i32 to index
      %get3A_777 = arith.constant 0 : index
      %get3A_778 = tpu.vector_load %arg6[%get3A_776, %get3A_777] {strides = array<i32>} : memref<640x128xf32, #tpu.memory_space<vmem>>, vector<1x16xf32>,
      %get3A_779 = vector.shape_cast %get3A_778 : vector<1x16xf32> to vector<16xf32>
      %add3A_780 = arith.addf %get3A_769, %get3A_779 : vector<16xf32>
      %get3A_781 = arith.index_cast %add3A_775 : i32 to index
      %get3A_782 = arith.constant 16 : index
      %get3A_783 = tpu.vector_load %arg6[%get3A_781, %get3A_782] {strides = array<i32>} : memref<640x128xf32, #tpu.memory_space<vmem>>, vector<1x16xf32>,
      %get3A_784 = vector.shape_cast %get3A_783 : vector<1x16xf32> to vector<16xf32>
      %add3A_785 = arith.addf %get3A_773, %get3A_784 : vector<16xf32>
      %add3A_786 = arith.constant 64 : i32
      %add3A_787 = arith.addi %add3A_786, %scan3A_766 : i32
      %get3A_788 = arith.index_cast %add3A_787 : i32 to index
      %get3A_789 = arith.constant 0 : index
      %get3A_790 = tpu.vector_load %arg6[%get3A_788, %get3A_789] {strides = array<i32>} : memref<640x128xf32, #tpu.memory_space<vmem>>, vector<1x16xf32>,
      %get3A_791 = vector.shape_cast %get3A_790 : vector<1x16xf32> to vector<16xf32>
      %add3A_792 = arith.addf %add3A_780, %get3A_791 : vector<16xf32>
      %get3A_793 = arith.index_cast %add3A_787 : i32 to index
      %get3A_794 = arith.constant 16 : index
      %get3A_795 = tpu.vector_load %arg6[%get3A_793, %get3A_794] {strides = array<i32>} : memref<640x128xf32, #tpu.memory_space<vmem>>, vector<1x16xf32>,
      %get3A_796 = vector.shape_cast %get3A_795 : vector<1x16xf32> to vector<16xf32>
      %add3A_797 = arith.addf %add3A_785, %get3A_796 : vector<16xf32>
      %add3A_798 = arith.constant 96 : i32
      %add3A_799 = arith.addi %add3A_798, %scan3A_766 : i32
      %get3A_800 = arith.index_cast %add3A_799 : i32 to index
      %get3A_801 = arith.constant 0 : index
      %get3A_802 = tpu.vector_load %arg6[%get3A_800, %get3A_801] {strides = array<i32>} : memref<640x128xf32, #tpu.memory_space<vmem>>, vector<1x16xf32>,
      %get3A_803 = vector.shape_cast %get3A_802 : vector<1x16xf32> to vector<16xf32>
      %add3A_804 = arith.addf %add3A_792, %get3A_803 : vector<16xf32>
      %get3A_805 = arith.index_cast %add3A_799 : i32 to index
      %get3A_806 = arith.constant 16 : index
      %get3A_807 = tpu.vector_load %arg6[%get3A_805, %get3A_806] {strides = array<i32>} : memref<640x128xf32, #tpu.memory_space<vmem>>, vector<1x16xf32>,
      %get3A_808 = vector.shape_cast %get3A_807 : vector<1x16xf32> to vector<16xf32>
      %add3A_809 = arith.addf %add3A_797, %get3A_808 : vector<16xf32>
      %add3A_810 = arith.constant 128 : i32
      %add3A_811 = arith.addi %add3A_810, %scan3A_766 : i32
      %get3A_812 = arith.index_cast %add3A_811 : i32 to index
      %get3A_813 = arith.constant 0 : index
      %get3A_814 = tpu.vector_load %arg6[%get3A_812, %get3A_813] {strides = array<i32>} : memref<640x128xf32, #tpu.memory_space<vmem>>, vector<1x16xf32>,
      %get3A_815 = vector.shape_cast %get3A_814 : vector<1x16xf32> to vector<16xf32>
      %add3A_816 = arith.addf %add3A_804, %get3A_815 : vector<16xf32>
      %get3A_817 = arith.index_cast %add3A_811 : i32 to index
      %get3A_818 = arith.constant 16 : index
      %get3A_819 = tpu.vector_load %arg6[%get3A_817, %get3A_818] {strides = array<i32>} : memref<640x128xf32, #tpu.memory_space<vmem>>, vector<1x16xf32>,
      %get3A_820 = vector.shape_cast %get3A_819 : vector<1x16xf32> to vector<16xf32>
      %add3A_821 = arith.addf %add3A_809, %get3A_820 : vector<16xf32>
      %add3A_822 = arith.constant 160 : i32
      %add3A_823 = arith.addi %add3A_822, %scan3A_766 : i32
      %get3A_824 = arith.index_cast %add3A_823 : i32 to index
      %get3A_825 = arith.constant 0 : index
      %get3A_826 = tpu.vector_load %arg6[%get3A_824, %get3A_825] {strides = array<i32>} : memref<640x128xf32, #tpu.memory_space<vmem>>, vector<1x16xf32>,
      %get3A_827 = vector.shape_cast %get3A_826 : vector<1x16xf32> to vector<16xf32>
      %add3A_828 = arith.addf %add3A_816, %get3A_827 : vector<16xf32>
      %get3A_829 = arith.index_cast %add3A_823 : i32 to index
      %get3A_830 = arith.constant 16 : index
      %get3A_831 = tpu.vector_load %arg6[%get3A_829, %get3A_830] {strides = array<i32>} : memref<640x128xf32, #tpu.memory_space<vmem>>, vector<1x16xf32>,
      %get3A_832 = vector.shape_cast %get3A_831 : vector<1x16xf32> to vector<16xf32>
      %add3A_833 = arith.addf %add3A_821, %get3A_832 : vector<16xf32>
      %add3A_834 = arith.constant 192 : i32
      %add3A_835 = arith.addi %add3A_834, %scan3A_766 : i32
      %get3A_836 = arith.index_cast %add3A_835 : i32 to index
      %get3A_837 = arith.constant 0 : index
      %get3A_838 = tpu.vector_load %arg6[%get3A_836, %get3A_837] {strides = array<i32>} : memref<640x128xf32, #tpu.memory_space<vmem>>, vector<1x16xf32>,
      %get3A_839 = vector.shape_cast %get3A_838 : vector<1x16xf32> to vector<16xf32>
      %add3A_840 = arith.addf %add3A_828, %get3A_839 : vector<16xf32>
      %get3A_841 = arith.index_cast %add3A_835 : i32 to index
      %get3A_842 = arith.constant 16 : index
      %get3A_843 = tpu.vector_load %arg6[%get3A_841, %get3A_842] {strides = array<i32>} : memref<640x128xf32, #tpu.memory_space<vmem>>, vector<1x16xf32>,
      %get3A_844 = vector.shape_cast %get3A_843 : vector<1x16xf32> to vector<16xf32>
      %add3A_845 = arith.addf %add3A_833, %get3A_844 : vector<16xf32>
      %add3A_846 = arith.constant 224 : i32
      %add3A_847 = arith.addi %add3A_846, %scan3A_766 : i32
      %get3A_848 = arith.index_cast %add3A_847 : i32 to index
      %get3A_849 = arith.constant 0 : index
      %get3A_850 = tpu.vector_load %arg6[%get3A_848, %get3A_849] {strides = array<i32>} : memref<640x128xf32, #tpu.memory_space<vmem>>, vector<1x16xf32>,
      %get3A_851 = vector.shape_cast %get3A_850 : vector<1x16xf32> to vector<16xf32>
      %add3A_852 = arith.addf %add3A_840, %get3A_851 : vector<16xf32>
      %get3A_853 = arith.index_cast %add3A_847 : i32 to index
      %get3A_854 = arith.constant 16 : index
      %get3A_855 = tpu.vector_load %arg6[%get3A_853, %get3A_854] {strides = array<i32>} : memref<640x128xf32, #tpu.memory_space<vmem>>, vector<1x16xf32>,
      %get3A_856 = vector.shape_cast %get3A_855 : vector<1x16xf32> to vector<16xf32>
      %add3A_857 = arith.addf %add3A_845, %get3A_856 : vector<16xf32>
      %add3A_858 = arith.constant 256 : i32
      %add3A_859 = arith.addi %add3A_858, %scan3A_766 : i32
      %get3A_860 = arith.index_cast %add3A_859 : i32 to index
      %get3A_861 = arith.constant 0 : index
      %get3A_862 = tpu.vector_load %arg6[%get3A_860, %get3A_861] {strides = array<i32>} : memref<640x128xf32, #tpu.memory_space<vmem>>, vector<1x16xf32>,
      %get3A_863 = vector.shape_cast %get3A_862 : vector<1x16xf32> to vector<16xf32>
      %add3A_864 = arith.addf %add3A_852, %get3A_863 : vector<16xf32>
      %get3A_865 = arith.index_cast %add3A_859 : i32 to index
      %get3A_866 = arith.constant 16 : index
      %get3A_867 = tpu.vector_load %arg6[%get3A_865, %get3A_866] {strides = array<i32>} : memref<640x128xf32, #tpu.memory_space<vmem>>, vector<1x16xf32>,
      %get3A_868 = vector.shape_cast %get3A_867 : vector<1x16xf32> to vector<16xf32>
      %add3A_869 = arith.addf %add3A_857, %get3A_868 : vector<16xf32>
      %add3A_870 = arith.constant 288 : i32
      %add3A_871 = arith.addi %add3A_870, %scan3A_766 : i32
      %get3A_872 = arith.index_cast %add3A_871 : i32 to index
      %get3A_873 = arith.constant 0 : index
      %get3A_874 = tpu.vector_load %arg6[%get3A_872, %get3A_873] {strides = array<i32>} : memref<640x128xf32, #tpu.memory_space<vmem>>, vector<1x16xf32>,
      %get3A_875 = vector.shape_cast %get3A_874 : vector<1x16xf32> to vector<16xf32>
      %add3A_876 = arith.addf %add3A_864, %get3A_875 : vector<16xf32>
      %get3A_877 = arith.index_cast %add3A_871 : i32 to index
      %get3A_878 = arith.constant 16 : index
      %get3A_879 = tpu.vector_load %arg6[%get3A_877, %get3A_878] {strides = array<i32>} : memref<640x128xf32, #tpu.memory_space<vmem>>, vector<1x16xf32>,
      %get3A_880 = vector.shape_cast %get3A_879 : vector<1x16xf32> to vector<16xf32>
      %add3A_881 = arith.addf %add3A_869, %get3A_880 : vector<16xf32>
      %add3A_882 = arith.constant 320 : i32
      %add3A_883 = arith.addi %add3A_882, %scan3A_766 : i32
      %get3A_884 = arith.index_cast %add3A_883 : i32 to index
      %get3A_885 = arith.constant 0 : index
      %get3A_886 = tpu.vector_load %arg6[%get3A_884, %get3A_885] {strides = array<i32>} : memref<640x128xf32, #tpu.memory_space<vmem>>, vector<1x16xf32>,
      %get3A_887 = vector.shape_cast %get3A_886 : vector<1x16xf32> to vector<16xf32>
      %add3A_888 = arith.addf %add3A_876, %get3A_887 : vector<16xf32>
      %get3A_889 = arith.index_cast %add3A_883 : i32 to index
      %get3A_890 = arith.constant 16 : index
      %get3A_891 = tpu.vector_load %arg6[%get3A_889, %get3A_890] {strides = array<i32>} : memref<640x128xf32, #tpu.memory_space<vmem>>, vector<1x16xf32>,
      %get3A_892 = vector.shape_cast %get3A_891 : vector<1x16xf32> to vector<16xf32>
      %add3A_893 = arith.addf %add3A_881, %get3A_892 : vector<16xf32>
      %add3A_894 = arith.constant 352 : i32
      %add3A_895 = arith.addi %add3A_894, %scan3A_766 : i32
      %get3A_896 = arith.index_cast %add3A_895 : i32 to index
      %get3A_897 = arith.constant 0 : index
      %get3A_898 = tpu.vector_load %arg6[%get3A_896, %get3A_897] {strides = array<i32>} : memref<640x128xf32, #tpu.memory_space<vmem>>, vector<1x16xf32>,
      %get3A_899 = vector.shape_cast %get3A_898 : vector<1x16xf32> to vector<16xf32>
      %add3A_900 = arith.addf %add3A_888, %get3A_899 : vector<16xf32>
      %get3A_901 = arith.index_cast %add3A_895 : i32 to index
      %get3A_902 = arith.constant 16 : index
      %get3A_903 = tpu.vector_load %arg6[%get3A_901, %get3A_902] {strides = array<i32>} : memref<640x128xf32, #tpu.memory_space<vmem>>, vector<1x16xf32>,
      %get3A_904 = vector.shape_cast %get3A_903 : vector<1x16xf32> to vector<16xf32>
      %add3A_905 = arith.addf %add3A_893, %get3A_904 : vector<16xf32>
      %add3A_906 = arith.constant 384 : i32
      %add3A_907 = arith.addi %add3A_906, %scan3A_766 : i32
      %get3A_908 = arith.index_cast %add3A_907 : i32 to index
      %get3A_909 = arith.constant 0 : index
      %get3A_910 = tpu.vector_load %arg6[%get3A_908, %get3A_909] {strides = array<i32>} : memref<640x128xf32, #tpu.memory_space<vmem>>, vector<1x16xf32>,
      %get3A_911 = vector.shape_cast %get3A_910 : vector<1x16xf32> to vector<16xf32>
      %add3A_912 = arith.addf %add3A_900, %get3A_911 : vector<16xf32>
      %get3A_913 = arith.index_cast %add3A_907 : i32 to index
      %get3A_914 = arith.constant 16 : index
      %get3A_915 = tpu.vector_load %arg6[%get3A_913, %get3A_914] {strides = array<i32>} : memref<640x128xf32, #tpu.memory_space<vmem>>, vector<1x16xf32>,
      %get3A_916 = vector.shape_cast %get3A_915 : vector<1x16xf32> to vector<16xf32>
      %add3A_917 = arith.addf %add3A_905, %get3A_916 : vector<16xf32>
      %add3A_918 = arith.constant 416 : i32
      %add3A_919 = arith.addi %add3A_918, %scan3A_766 : i32
      %get3A_920 = arith.index_cast %add3A_919 : i32 to index
      %get3A_921 = arith.constant 0 : index
      %get3A_922 = tpu.vector_load %arg6[%get3A_920, %get3A_921] {strides = array<i32>} : memref<640x128xf32, #tpu.memory_space<vmem>>, vector<1x16xf32>,
      %get3A_923 = vector.shape_cast %get3A_922 : vector<1x16xf32> to vector<16xf32>
      %add3A_924 = arith.addf %add3A_912, %get3A_923 : vector<16xf32>
      %get3A_925 = arith.index_cast %add3A_919 : i32 to index
      %get3A_926 = arith.constant 16 : index
      %get3A_927 = tpu.vector_load %arg6[%get3A_925, %get3A_926] {strides = array<i32>} : memref<640x128xf32, #tpu.memory_space<vmem>>, vector<1x16xf32>,
      %get3A_928 = vector.shape_cast %get3A_927 : vector<1x16xf32> to vector<16xf32>
      %add3A_929 = arith.addf %add3A_917, %get3A_928 : vector<16xf32>
      %add3A_930 = arith.constant 448 : i32
      %add3A_931 = arith.addi %add3A_930, %scan3A_766 : i32
      %get3A_932 = arith.index_cast %add3A_931 : i32 to index
      %get3A_933 = arith.constant 0 : index
      %get3A_934 = tpu.vector_load %arg6[%get3A_932, %get3A_933] {strides = array<i32>} : memref<640x128xf32, #tpu.memory_space<vmem>>, vector<1x16xf32>,
      %get3A_935 = vector.shape_cast %get3A_934 : vector<1x16xf32> to vector<16xf32>
      %add3A_936 = arith.addf %add3A_924, %get3A_935 : vector<16xf32>
      %get3A_937 = arith.index_cast %add3A_931 : i32 to index
      %get3A_938 = arith.constant 16 : index
      %get3A_939 = tpu.vector_load %arg6[%get3A_937, %get3A_938] {strides = array<i32>} : memref<640x128xf32, #tpu.memory_space<vmem>>, vector<1x16xf32>,
      %get3A_940 = vector.shape_cast %get3A_939 : vector<1x16xf32> to vector<16xf32>
      %add3A_941 = arith.addf %add3A_929, %get3A_940 : vector<16xf32>
      %add3A_942 = arith.constant 480 : i32
      %add3A_943 = arith.addi %add3A_942, %scan3A_766 : i32
      %get3A_944 = arith.index_cast %add3A_943 : i32 to index
      %get3A_945 = arith.constant 0 : index
      %get3A_946 = tpu.vector_load %arg6[%get3A_944, %get3A_945] {strides = array<i32>} : memref<640x128xf32, #tpu.memory_space<vmem>>, vector<1x16xf32>,
      %get3A_947 = vector.shape_cast %get3A_946 : vector<1x16xf32> to vector<16xf32>
      %add3A_948 = arith.addf %add3A_936, %get3A_947 : vector<16xf32>
      %get3A_949 = arith.index_cast %add3A_943 : i32 to index
      %get3A_950 = arith.constant 16 : index
      %get3A_951 = tpu.vector_load %arg6[%get3A_949, %get3A_950] {strides = array<i32>} : memref<640x128xf32, #tpu.memory_space<vmem>>, vector<1x16xf32>,
      %get3A_952 = vector.shape_cast %get3A_951 : vector<1x16xf32> to vector<16xf32>
      %add3A_953 = arith.addf %add3A_941, %get3A_952 : vector<16xf32>
      %add3A_954 = arith.constant 512 : i32
      %add3A_955 = arith.addi %add3A_954, %scan3A_766 : i32
      %get3A_956 = arith.index_cast %add3A_955 : i32 to index
      %get3A_957 = arith.constant 0 : index
      %get3A_958 = tpu.vector_load %arg6[%get3A_956, %get3A_957] {strides = array<i32>} : memref<640x128xf32, #tpu.memory_space<vmem>>, vector<1x16xf32>,
      %get3A_959 = vector.shape_cast %get3A_958 : vector<1x16xf32> to vector<16xf32>
      %add3A_960 = arith.addf %add3A_948, %get3A_959 : vector<16xf32>
      %get3A_961 = arith.index_cast %add3A_955 : i32 to index
      %get3A_962 = arith.constant 16 : index
      %get3A_963 = tpu.vector_load %arg6[%get3A_961, %get3A_962] {strides = array<i32>} : memref<640x128xf32, #tpu.memory_space<vmem>>, vector<1x16xf32>,
      %get3A_964 = vector.shape_cast %get3A_963 : vector<1x16xf32> to vector<16xf32>
      %add3A_965 = arith.addf %add3A_953, %get3A_964 : vector<16xf32>
      %add3A_966 = arith.constant 544 : i32
      %add3A_967 = arith.addi %add3A_966, %scan3A_766 : i32
      %get3A_968 = arith.index_cast %add3A_967 : i32 to index
      %get3A_969 = arith.constant 0 : index
      %get3A_970 = tpu.vector_load %arg6[%get3A_968, %get3A_969] {strides = array<i32>} : memref<640x128xf32, #tpu.memory_space<vmem>>, vector<1x16xf32>,
      %get3A_971 = vector.shape_cast %get3A_970 : vector<1x16xf32> to vector<16xf32>
      %add3A_972 = arith.addf %add3A_960, %get3A_971 : vector<16xf32>
      %get3A_973 = arith.index_cast %add3A_967 : i32 to index
      %get3A_974 = arith.constant 16 : index
      %get3A_975 = tpu.vector_load %arg6[%get3A_973, %get3A_974] {strides = array<i32>} : memref<640x128xf32, #tpu.memory_space<vmem>>, vector<1x16xf32>,
      %get3A_976 = vector.shape_cast %get3A_975 : vector<1x16xf32> to vector<16xf32>
      %add3A_977 = arith.addf %add3A_965, %get3A_976 : vector<16xf32>
      %add3A_978 = arith.constant 576 : i32
      %add3A_979 = arith.addi %add3A_978, %scan3A_766 : i32
      %get3A_980 = arith.index_cast %add3A_979 : i32 to index
      %get3A_981 = arith.constant 0 : index
      %get3A_982 = tpu.vector_load %arg6[%get3A_980, %get3A_981] {strides = array<i32>} : memref<640x128xf32, #tpu.memory_space<vmem>>, vector<1x16xf32>,
      %get3A_983 = vector.shape_cast %get3A_982 : vector<1x16xf32> to vector<16xf32>
      %add3A_984 = arith.addf %add3A_972, %get3A_983 : vector<16xf32>
      %get3A_985 = arith.index_cast %add3A_979 : i32 to index
      %get3A_986 = arith.constant 16 : index
      %get3A_987 = tpu.vector_load %arg6[%get3A_985, %get3A_986] {strides = array<i32>} : memref<640x128xf32, #tpu.memory_space<vmem>>, vector<1x16xf32>,
      %get3A_988 = vector.shape_cast %get3A_987 : vector<1x16xf32> to vector<16xf32>
      %add3A_989 = arith.addf %add3A_977, %get3A_988 : vector<16xf32>
      %add3A_990 = arith.constant 608 : i32
      %add3A_991 = arith.addi %add3A_990, %scan3A_766 : i32
      %get3A_992 = arith.index_cast %add3A_991 : i32 to index
      %get3A_993 = arith.constant 0 : index
      %get3A_994 = tpu.vector_load %arg6[%get3A_992, %get3A_993] {strides = array<i32>} : memref<640x128xf32, #tpu.memory_space<vmem>>, vector<1x16xf32>,
      %get3A_995 = vector.shape_cast %get3A_994 : vector<1x16xf32> to vector<16xf32>
      %add3A_996 = arith.addf %add3A_984, %get3A_995 : vector<16xf32>
      %get3A_997 = arith.index_cast %add3A_991 : i32 to index
      %get3A_998 = arith.constant 16 : index
      %get3A_999 = tpu.vector_load %arg6[%get3A_997, %get3A_998] {strides = array<i32>} : memref<640x128xf32, #tpu.memory_space<vmem>>, vector<1x16xf32>,
      %get3A_1000 = vector.shape_cast %get3A_999 : vector<1x16xf32> to vector<16xf32>
      %add3A_1001 = arith.addf %add3A_989, %get3A_1000 : vector<16xf32>
      %mul3A_1002 = arith.constant 5.000000e-02 : f32
      %mul3A_1003 = vector.broadcast %mul3A_1002 : f32 to vector<16xf32>
      %mul3A_1004 = arith.mulf %add3A_996, %mul3A_1003 : vector<16xf32>
      %swap3A = arith.index_cast %scan3A_766 : i32 to index
      %swap3A_1005 = arith.constant 0 : index
      %swap3A_1006 = tpu.vector_load %arg7[%swap3A, %swap3A_1005] {strides = array<i32>} : memref<32x48xf32, #tpu.memory_space<vmem>>, vector<1x16xf32>,
      %swap3A_1007 = vector.shape_cast %swap3A_1006 : vector<1x16xf32> to vector<16xf32>
      %swap3A_1008 = vector.shape_cast %mul3A_1004 : vector<16xf32> to vector<1x16xf32>
      tpu.vector_store %arg7[%swap3A, %swap3A_1005], %swap3A_1008 {strides = array<i32>} : memref<32x48xf32, #tpu.memory_space<vmem>>, vector<1x16xf32>,
      %mul3A_1009 = arith.constant 5.000000e-02 : f32
      %mul3A_1010 = vector.broadcast %mul3A_1009 : f32 to vector<16xf32>
      %mul3A_1011 = arith.mulf %add3A_1001, %mul3A_1010 : vector<16xf32>
      %swap3A_1012 = arith.index_cast %scan3A_766 : i32 to index
      %swap3A_1013 = arith.constant 16 : index
      %swap3A_1014 = tpu.vector_load %arg7[%swap3A_1012, %swap3A_1013] {strides = array<i32>} : memref<32x48xf32, #tpu.memory_space<vmem>>, vector<1x16xf32>,
      %swap3A_1015 = vector.shape_cast %swap3A_1014 : vector<1x16xf32> to vector<16xf32>
      %swap3A_1016 = vector.shape_cast %mul3A_1011 : vector<16xf32> to vector<1x16xf32>
      tpu.vector_store %arg7[%swap3A_1012, %swap3A_1013], %swap3A_1016 {strides = array<i32>} : memref<32x48xf32, #tpu.memory_space<vmem>>, vector<1x16xf32>,
    }
    %scan3A_765 = arith.constant 32 : i32
    "tpu.region"() ({
      %run_scoped3A = tpu.sem_alloc : memref<!tpu.dma_semaphore, #tpu.memory_space<semaphore_mem>>
      %dma_start3A_766 = arith.constant 0 : i32
      %dma_start3A_767 = tpu.memref_slice %arg4[%mul3A_2, %dma_start3A_766] : memref<1024x48xf32, #tpu.memory_space<hbm>> -> memref<32x48xf32, #tpu.memory_space<hbm>>
      %dma_start3A_768 = arith.constant 0 : i32
      %dma_start3A_769 = tpu.memref_slice %arg4[%mul3A_2, %dma_start3A_768] : memref<1024x48xf32, #tpu.memory_space<hbm>> -> memref<32x48xf32, #tpu.memory_space<hbm>>
      tpu.enqueue_dma source(%arg7 : memref<32x48xf32, #tpu.memory_space<vmem>>) target(%dma_start3A_769 : memref<32x48xf32, #tpu.memory_space<hbm>>) target_semaphore(%run_scoped3A : memref<!tpu.dma_semaphore, #tpu.memory_space<semaphore_mem>>)
      %dma_wait3A_770 = arith.constant 0 : i32
      %dma_wait3A_771 = tpu.memref_slice %arg4[%mul3A_2, %dma_wait3A_770] : memref<1024x48xf32, #tpu.memory_space<hbm>> -> memref<32x48xf32, #tpu.memory_space<hbm>>
      %dma_wait3A_772 = arith.constant 0 : i32
      %dma_wait3A_773 = tpu.memref_slice %arg4[%mul3A_2, %dma_wait3A_772] : memref<1024x48xf32, #tpu.memory_space<hbm>> -> memref<32x48xf32, #tpu.memory_space<hbm>>
      tpu.wait_dma2 semaphore(%run_scoped3A : memref<!tpu.dma_semaphore, #tpu.memory_space<semaphore_mem>>) src(%arg7 : memref<32x48xf32, #tpu.memory_space<vmem>>) dst(%dma_wait3A_773 : memref<32x48xf32, #tpu.memory_space<hbm>>)
      tpu.yield
    }) : () -> ()
    return
  }
}

module attributes {stable_mosaic.version = 14 : i64} {
  func.func @body(%arg0: i32, %arg1: memref<48x3072xf32, #tpu.memory_space<vmem>>, %arg2: memref<1024x48xf32, #tpu.memory_space<vmem>>, %arg3: memref<3072x1024xf32, #tpu.memory_space<vmem>>) attributes {dimension_semantics = [#tpu.dimension_semantics<arbitrary>], iteration_bounds = array<i64: 33>, scalar_prefetch = 0 : i64, scratch_operands = 0 : i64, tpu.core_type = #tpu.core_type<tc>, window_params = [{transform_indices = @transform_0, window_bounds = array<i64: 48, 3072>}, {pipeline_mode = #tpu.pipeline_mode<synchronous>, transform_indices = @transform_1, window_bounds = array<i64: 1024, 48>}, {transform_indices = @transform_2, window_bounds = array<i64: 3072, 1024>}]} {
    %get3A = arith.constant 0 : index
    %get3A_0 = arith.constant 0 : index
    %get3A_1 = vector.load %arg2[%get3A, %get3A_0] : memref<1024x48xf32, #tpu.memory_space<vmem>>, vector<1024x48xf32>
    %iota3A = tpu.iota {dimensions = array<i32: 1>} : vector<1024x48xi32>
    %eq3A = arith.constant 32 : i32
    %eq3A_2 = vector.broadcast %eq3A : i32 to vector<1024x48xi32>
    %eq3A_3 = arith.cmpi eq, %iota3A, %eq3A_2 : vector<1024x48xi32>
    %gt3A = arith.constant 32 : i32
    %gt3A_4 = vector.broadcast %gt3A : i32 to vector<1024x48xi32>
    %gt3A_5 = arith.cmpi sgt, %iota3A, %gt3A_4 : vector<1024x48xi32>
    %jit3A = arith.constant 0.000000e+00 : f32
    %broadcast_in_dim3A = vector.broadcast %jit3A : f32 to vector<1024x48xf32>
    %select_n3A = arith.select %gt3A_5, %broadcast_in_dim3A, %get3A_1 : vector<1024x48xi1>, vector<1024x48xf32>
    %jit3A_6 = arith.constant 1.000000e+00 : f32
    %broadcast_in_dim3A_7 = vector.broadcast %jit3A_6 : f32 to vector<1024x48xf32>
    %select_n3A_8 = arith.select %eq3A_3, %broadcast_in_dim3A_7, %select_n3A : vector<1024x48xi1>, vector<1024x48xf32>
    %get3A_9 = arith.constant 0 : index
    %get3A_10 = arith.constant 0 : index
    %get3A_11 = vector.load %arg1[%get3A_9, %get3A_10] : memref<48x3072xf32, #tpu.memory_space<vmem>>, vector<48x3072xf32>
    %dot_general3A = arith.constant dense<0.000000e+00> : vector<3072x1024xf32>
    %dot_general3A_12 = tpu.matmul %get3A_11, %select_n3A_8, %dot_general3A {dimension_numbers = #tpu.dot_dimension_numbers<[0], [1], [1], [0], [0, 1, 1, 0], [], []>, transpose_lhs_hint = false} : vector<48x3072xf32>, vector<1024x48xf32>, vector<3072x1024xf32> -> vector<3072x1024xf32>
    %swap3A = arith.constant 0 : index
    %swap3A_13 = arith.constant 0 : index
    %swap3A_14 = vector.load %arg3[%swap3A, %swap3A_13] : memref<3072x1024xf32, #tpu.memory_space<vmem>>, vector<3072x1024xf32>
    tpu.vector_store %arg3[%swap3A, %swap3A_13], %dot_general3A_12 {strides = array<i32>} : memref<3072x1024xf32, #tpu.memory_space<vmem>>, vector<3072x1024xf32>,
    return
  }
  func.func @transform_0(%arg0: i32) -> (i32, i32) {
    %c0_i32 = arith.constant 0 : i32
    %c0_i32_0 = arith.constant 0 : i32
    return %c0_i32, %arg0 : i32, i32
  }
  func.func @transform_1(%arg0: i32) -> (i32, i32) {
    %c0_i32 = arith.constant 0 : i32
    %c0_i32_0 = arith.constant 0 : i32
    %c0_i32_1 = arith.constant 0 : i32
    return %c0_i32, %c0_i32_0 : i32, i32
  }
  func.func @transform_2(%arg0: i32) -> (i32, i32) {
    %c0_i32 = arith.constant 0 : i32
    %c0_i32_0 = arith.constant 0 : i32
    return %arg0, %c0_i32 : i32, i32
  }
}

</mosaic_0001>

<sc_bundles>
// kernel: kernel.4.cloned.1.call-start
scs
__scs_entry_jumppad:
0x0: {  	(pc) =	sbr.rel $0x88, $3  }
0x1: {  	(tag) =	ssettag $0x0;
	lr =	simm.s32 $0x1  }
0x2: {  	[smem:$0x3F9D] =	sst lr;
	_ =	strace $0xD0000000  }
0x3: {  	_ = 	snop  }
0x4: {  	_ = 	snop  }
0x5: {  	_ = 	snop  }
0x6: {  	_ = 	snop  }
0x7: {  	_ = 	snop  }
__scs_overlays_trampoline_lowered:
0x8: {  	[smem:$0x3FAC] =	sst s0  }
0x9: {  	[smem:$0x3FAD] =	sst s1  }
0xa: {  	[smem:$0x3FAE] =	sst s2  }
0xb: {  	[smem:$0x3FAF] =	sst s3  }
0xc: {  	[smem:$0x3FB0] =	sst s4  }
0xd: {  	[smem:$0x3FB1] =	sst s5  }
0xe: {  	[smem:$0x3FB2] =	sst s6  }
0xf: {  	[smem:$0x3FB3] =	sst s7  }
0x10: {  	[smem:$0x3FB4] =	sst s8  }
0x11: {  	[smem:$0x3FB5] =	sst s9;
	s0 =	simm.s32 @!p0 $0x0  }
0x12: {  	s1 =	sld [smem:$0x3F9B];
	s0 =	simm.s32 @p0 $0x1  }
0x13: {  	[smem:$0x3FB6] =	sst s0;
	s0 =	simm.s32 @!p1 $0x0  }
0x14: {  	s2 =	sld [smem:$0x3F9A];
	s0 =	simm.s32 @p1 $0x1  }
0x15: {  	[smem:$0x3FB7] =	sst s0;
	s0 =	simm.s32 @!p2 $0x0  }
0x16: {  	s3 =	sld [smem:$0x3FDB];
	s0 =	simm.s32 @p2 $0x1  }
0x17: {  	s4 =	simm.s32 $0x1BF5;
	[smem:$0x3FB9] =	sst s0  }
0x18: {  	s0 =	sld [smem:$0x3F9C];
	_ =	swait.ge [sflag:s4], $0x0  }
0x19: {  	s7 =	sld [smem:$0x3F9D]  }
0x1a: {  	s8 =	sadd.s32 $0xFFFFE003, lr  }
0x1b: {  	s9 =	sadd.s32 $0xFFFFFEF7, lr;
	s5 =	simm.s32 $0xFFFFFFFF;
	p2 =	slt.u32 s8, $0xFFFFF086  }
0x1c: {  	p1 =	slt.u32 s9, $0xF7A;
	s5 =	simm.s32 @!p2 $0x0  }
0x1d: {  	s5 =	simm.s32 @p1 $0x1;
	p0 =	seq.s32 s7, s2  }
0x1e: {  	s7 =	smul.u32 @!p0 $0xF7A, s2;
	p2 =	seq.s32 @!p0 s5, $0x0  }
0x1f: {  	s9 =	smul.u32 $0xF7A, s1;
	s8 =	simm.s32 @!p0 $0x1BF5;
	p2 =	por !p2, p0  }
0x20: {  	[sflag:s8] =	ssyncset.s32 @!p0 $0xFFFFF086;
	s6 =	sadd.s32 @!p0 s3, s7;
	s7 =	simm.s32 @!p0 $0x108  }
0x21: {  	s3 =	sadd.s32 s3, s9;
	s6 =	sadd.s32 @!p0 $0x88, s6;
	s7 =	simm.s32 @p2 $0x1082  }
0x22: {  	[simem:s7], [sflag:s8] =	dma.local @!p0 [hbm:s6], $0xF7A  }
0x23: {  	s9 =	sor.u32 $0xD0000000, s2;
	s6 =	simm.s32 $0x108;
	_ =	swait.ge @!p0 [sflag:s8], $0x0  }
0x24: {  	s3 =	sadd.s32 $0x88, s3;
	s6 =	simm.s32 @!p1 $0x1082;
	[sflag:s4] =	ssyncset.s32 $0xFFFFF086  }
0x25: {  	[simem:s6], [sflag:s4] =	dma.local [hbm:s3], $0xF7A  }
0x26: {  	[smem:$0x3F9D] =	sst s1;
	(tag) =	ssettag s2;
	_ =	strace s9  }
0x27: {  	s1 =	sld [smem:$0x3FAD]  }
0x28: {  	s2 =	sld [smem:$0x3FAE]  }
0x29: {  	s4 =	sld [smem:$0x3FB0]  }
0x2a: {  	p0 =	seq.s32 s5, $0x0;
	s5 =	sld [smem:$0x3FB1]  }
0x2b: {  	s6 =	sld [smem:$0x3FB2]  }
0x2c: {  	s7 =	sld [smem:$0x3FB3]  }
0x2d: {  	s3 =	simm.s32 $0x108;
	s8 =	sld [smem:$0x3FB4]  }
0x2e: {  	s3 =	simm.s32 @!p0 $0x1082;
	s9 =	sld [smem:$0x3FB5]  }
0x2f: {  	lr =	sadd.s32 s0, s3;
	s0 =	sld [smem:$0x3FAC]  }
0x30: {  	s3 =	sld [smem:$0x3FAF]  }
0x31: {  	[smem:$0x3FB8] =	sst s10  }
0x32: {  	s10 =	sld [smem:$0x3FB6];
	_ =	sdelay $0x3  }
0x33: {  	p0 =	seq.s32 s10, $0x1;
	s10 =	sld [smem:$0x3FB8];
	_ =	sdelay $0x3  }
0x34: {  	[smem:$0x3FB8] =	sst s10  }
0x35: {  	s10 =	sld [smem:$0x3FB7];
	_ =	sdelay $0x3  }
0x36: {  	p1 =	seq.s32 s10, $0x1;
	s10 =	sld [smem:$0x3FB8];
	_ =	sdelay $0x3  }
0x37: {  	[smem:$0x3FB8] =	sst s10  }
0x38: {  	s10 =	sld [smem:$0x3FB9]  }
0x39: {  	_ = 	snop;
	(pc) =	sbr.ind lr, $3  }
0x3a: {  	_ = 	snop  }
0x3b: {  	_ = 	snop  }
0x3c: {  	p2 =	seq.s32 s10, $0x1;
	s10 =	sld [smem:$0x3FB8]  }
0x3d: {  	_ =	shalt  }
0x3e: {  	_ =	shalt  }
0x3f: {  	_ =	shalt  }
0x40: {  	_ =	shalt  }
0x41: {  	_ =	shalt  }
0x42: {  	_ =	shalt  }
0x43: {  	_ =	shalt  }
0x44: {  	_ =	shalt  }
0x45: {  	_ =	shalt  }
0x46: {  	_ =	shalt  }
0x47: {  	_ =	shalt  }
0x48: {  	_ =	shalt  }
0x49: {  	_ =	shalt  }
0x4a: {  	_ =	shalt  }
0x4b: {  	_ =	shalt  }
0x4c: {  	_ =	shalt  }
0x4d: {  	_ =	shalt  }
0x4e: {  	_ =	shalt  }
0x4f: {  	_ =	shalt  }
0x50: {  	_ =	shalt  }
0x51: {  	_ =	shalt  }
0x52: {  	_ =	shalt  }
0x53: {  	_ =	shalt  }
0x54: {  	_ =	shalt  }
0x55: {  	_ =	shalt  }
0x56: {  	_ =	shalt  }
0x57: {  	_ =	shalt  }
0x58: {  	_ =	shalt  }
0x59: {  	_ =	shalt  }
0x5a: {  	_ =	shalt  }
0x5b: {  	_ =	shalt  }
0x5c: {  	_ =	shalt  }
0x5d: {  	_ =	shalt  }
0x5e: {  	_ =	shalt  }
0x5f: {  	_ =	shalt  }
0x60: {  	_ =	shalt  }
0x61: {  	_ =	shalt  }
0x62: {  	_ =	shalt  }
0x63: {  	_ =	shalt  }
0x64: {  	_ =	shalt  }
0x65: {  	_ =	shalt  }
0x66: {  	_ =	shalt  }
0x67: {  	_ =	shalt  }
0x68: {  	_ =	shalt  }
0x69: {  	_ =	shalt  }
0x6a: {  	_ =	shalt  }
0x6b: {  	_ =	shalt  }
0x6c: {  	_ =	shalt  }
0x6d: {  	_ =	shalt  }
0x6e: {  	_ =	shalt  }
0x6f: {  	_ =	shalt  }
0x70: {  	_ =	shalt  }
0x71: {  	_ =	shalt  }
0x72: {  	_ =	shalt  }
0x73: {  	_ =	shalt  }
0x74: {  	_ =	shalt  }
0x75: {  	_ =	shalt  }
0x76: {  	_ =	shalt  }
0x77: {  	_ =	shalt  }
0x78: {  	_ =	shalt  }
0x79: {  	_ =	shalt  }
0x7a: {  	_ =	shalt  }
0x7b: {  	_ =	shalt  }
0x7c: {  	_ =	shalt  }
0x7d: {  	_ =	shalt  }
0x7e: {  	_ =	shalt  }
0x7f: {  	_ =	shalt  }
0x80: {  	_ =	shalt  }
0x81: {  	_ =	shalt  }
0x82: {  	_ =	shalt  }
0x83: {  	_ =	shalt  }
0x84: {  	_ =	shalt  }
0x85: {  	_ =	shalt  }
0x86: {  	_ =	shalt  }
0x87: {  	_ =	shalt  }
.Lfunc_end0:
.L_simem_size_0:
called_computation_lowered:
.L_overlay_start_0:
0x88: {  	s2 =	sld [smem:$0x3FD9]  }
0x89: {  	s3 =	sld [smem:$0x3FFE];
	_ =	sdelay $0x1  }
0x8a: {  	s1 =	srdreg.scid  }
0x8b: {  	s0 =	sand.u32 $0x1, s1  }
0x8c: {  	s17 =	sshll.u32 s0, $0xA;
	s2 =	sadd.s32 s3, s2  }
0x8d: {  	s2 =	sadd.s32 s2, s17  }
0x8e: {  	[smem:$0x3FC4] =	sst s2  }
0x8f: {  	_ = 	snop  }
0x90: {  	s2 =	sld [smem:$0x3FC9]  }
0x91: {  	s18 =	sld [smem:$0x3FD0];
	(tm) =	ssettm $0x1  }
0x92: {  	s4 =	sld [smem:$0x3FFB];
	_ =	sdelay $0x3  }
0x93: {  	_ =	strace s4  }
0x94: {  	s4 =	sld [smem:$0x3FFC];
	_ =	sdelay $0x3  }
0x95: {  	_ =	strace s4  }
0x96: {  	s4 =	sld [smem:$0x3FFD];
	_ =	sdelay $0x3  }
0x97: {  	_ =	strace s4  }
0x98: {  	_ =	strace $0x8FFFFFFF  }
0x99: {  	s19 =	sld [smem:$0x3FDB];
	_ =	sdelay $0x1  }
0x9a: {  	s5 =	simm.s32 $_scs_section_size  }
0x9b: {  	s6 =	simm.s32 $_size__tile_overlayer_lowered;
	s7 =	simm.s32 $_tile_overlayer_lowered  }
0x9c: {  	s22 =	simm.s32 $0x1BFF;
	s21 =	sshll.u32 s7, $0x1;
	s4 =	sadd.s32 s5, s19  }
0x9d: {  	s8 =	simm.s32 $0x0;
	s20 =	sshll.u32 s6, $0x1;
	s6 =	sadd.s32 s21, s4  }
0x9e: {  	[timem:s8], [sflag:s22] =	dma.local [hbm:s6], s20  }
0x9f: {  	_ =	swait.ge [sflag:s22], s20  }
0xa0: {  	s5 =	ssub.s32 $0x0, s20;
	[sflag:s22] =	ssyncset.done $0x0  }
0xa1: {  	[sflag:s22] =	ssyncadd.s32 s5;
	_ =	sdelay $0x1  }
0xa2: {  	s23 =	simm.s32 $0x1B8B  }
0xa3: {  	_ =	swait.ge [sflag:s23], $0x1  }
0xa4: {  	[sflag:s23] =	ssyncset.done $0x0  }
0xa5: {  	s25 =	simm.s32 $0x1B8E;
	s24 =	sld [smem:$0x3FFE];
	[sflag:s23] =	ssyncadd.s32 $0xFFFFFFFF  }
0xa6: {  	s26 =	simm.s32 $execute0_lowered;
	[smem:$0x3FD2] =	sst s25  }
0xa7: {  	s6 =	sshll.u32 s26, $0x1;
	_ =	strace $0x80000046;
	[dreg:$0x1] =	wrdreg $0xFFFFFFFF  }
0xa8: {  	s28 =	simm.s32 $_size_execute0_lowered;
	s4 =	sadd.s32 s4, s6;
	[dreg:$0x0] =	wrdreg $0x0  }
0xa9: {  	s6 =	sshll.u32 s28, $0x1;
	[dreg:$0x2] =	wrdreg s4  }
0xaa: {  	[dreg:$0x3] =	wrdreg s6  }
0xab: {  	[dreg:$0x4] =	wrdreg $0xC0  }
0xac: {  	_ =	task [dreg:s8], $0x5FFFF  }
0xad: {  	[dreg:$0x1] =	wrdreg $0xFFFFFFFF  }
0xae: {  	[dreg:$0x0] =	wrdreg $0x60  }
0xaf: {  	[dreg:$0x2] =	wrdreg s24  }
0xb0: {  	[dreg:$0x3] =	wrdreg s2  }
0xb1: {  	[dreg:$0x4] =	wrdreg s18  }
0xb2: {  	[dreg:$0x5] =	wrdreg $0x9  }
0xb3: {  	_ =	task.clear_ibuf [dreg:s8], $0x6FFFF;
	_ =	strace $0x90000046  }
0xb4: {  	s29 =	simm.s32 $0x9;
	_ =	strace $0x80000048  }
0xb5: {  	_ =	swait.ge [sflag:s29], $0x1  }
0xb6: {  	[sflag:s29] =	ssyncadd.s32 $0xFFFFFFFF  }
0xb7: {  	_ =	strace $0x90000048  }
0xb8: {  	_ =	sfence  }
0xb9: {  	s30 =	sld [smem:$0x0];
	_ =	sdelay $0x2  }
0xba: {  	s31 =	sshll.u32 s1, $0xD;
	s1 =	sshrl.u32 s1, $0x2  }
0xbb: {  	s3 =	sand.u32 $0x4000, s31;
	s1 =	sadd.s32 s1, s30  }
0xbc: {  	s0 =	sor.u32 s3, s0;
	s1 =	sshll.u32 s1, $0x11  }
0xbd: {  	s0 =	sor.u32 s1, s0  }
0xbe: {  	s0 =	sadd.s32 $0x8F2B, s0  }
0xbf: {  	[sflag:s0] =	ssyncadd.remote.s32 $0x1  }
0xc0: {  	_ =	sfence.sel $0xFFFF  }
0xc1: {  	[dreg:$0x0] =	wrdreg $0xFFFFFFFF;
	(pc) =	sbr.abs _section_cstart, $3  }
0xc2: {  	[dreg:$0x1] =	wrdreg $0xFFFFFFFF  }
0xc3: {  	_ =	task.clear_ibuf [dreg:s8], $0x2FFFF;
	_ =	strace $0x9FFFFFFF  }
0xc4: {  	(tm) =	ssettm $0x7FFFFFFF  }
0xc5: {  	_ =	shalt  }
tec
execute0_lowered:
.L_overlay_start_1:
0x0: {  	(tag) =	ssettag $0x1  }
0x1: {  	s0 =	rddreg [dreg:$0x0]  }
0x2: {  	s7 =	rddreg [dreg:$0x1]  }
0x3: {  	s1 =	rddreg [dreg:$0x2];
	s25 =	simm.s32 $0x0  }
0x4: {  	[smem:$0x7FF] =	sst s25;
	s8 =	sadd.s32 $0x30, s7  }
0x5: {  	s9 =	sadd.s32 $0x40, s7;
	_ =	strace $0x80000047;
	[dreg:$0x6] =	wrdreg s8  }
0x6: {  	s10 =	sadd.s32 $0x50, s7;
	[dreg:$0x7] =	wrdreg s9  }
0x7: {  	s11 =	sadd.s32 $0x60, s7;
	[dreg:$0x8] =	wrdreg s10  }
0x8: {  	s12 =	sadd.s32 $0x70, s7;
	[dreg:$0x9] =	wrdreg s11  }
0x9: {  	s13 =	sadd.s32 $0x400, s7;
	[dreg:$0xa] =	wrdreg s12  }
0xa: {  	s14 =	sadd.s32 $0x410, s7;
	[dreg:$0xb] =	wrdreg s13  }
0xb: {  	s15 =	sadd.s32 $0x420, s7;
	[dreg:$0xc] =	wrdreg s14  }
0xc: {  	s16 =	sadd.s32 $0x430, s7;
	[dreg:$0xd] =	wrdreg s15  }
0xd: {  	s17 =	sadd.s32 $0x440, s7;
	[dreg:$0xe] =	wrdreg s16  }
0xe: {  	s2 =	srdreg.scid;
	s18 =	sadd.s32 $0x450, s7;
	[dreg:$0xf] =	wrdreg s17  }
0xf: {  	s4 =	stileid.u32;
	s19 =	sadd.s32 $0x460, s7;
	[dreg:$0x10] =	wrdreg s18  }
0x10: {  	s2 =	sand.u32 $0x1, s2;
	s20 =	sadd.s32 $0x470, s7;
	[dreg:$0x11] =	wrdreg s19  }
0x11: {  	s6 =	sshll.u32 s4, $0x6;
	s21 =	sadd.s32 $0x800, s7;
	[dreg:$0x12] =	wrdreg s20  }
0x12: {  	s4 =	sadd.s32 $0x1800, s0;
	s22 =	sadd.s32 $0x810, s7;
	[dreg:$0x13] =	wrdreg s21  }
0x13: {  	s24 =	sadd.s32 $0x820, s7;
	s3 =	ssub.s32 $0x2, s2;
	[dreg:$0x14] =	wrdreg s22  }
0x14: {  	s2 =	sshll.u32 s2, $0x5;
	[dreg:$0x16] =	wrdreg s24;
	s17 =	simm.s32 $0x80  }
0x15: {  	s18 =	simm.s32 $0x400;
	s19 =	simm.s32 $0x2;
	s5 =	sshrl.u32 s3, $0x1  }
0x16: {  	s20 =	simm.s32 $0x20;
	s26 =	ssub.s32 s3, s5;
	s3 =	sadd.s32 $0x10, s7  }
0x17: {  	s5 =	sor.u32 s2, s6;
	s6 =	sadd.s32 $0x20, s7;
	[dreg:$0x4] =	wrdreg s3  }
0x18: {  	s21 =	simm.s32 $0x1;
	s22 =	simm.s32 $0x3;
	[dreg:$0x5] =	wrdreg s6  }
0x19: {  	s23 =	sshll.u32 s5, $0x4;
	s0 =	smax.u32 s26, $0x1;
	s26 =	sadd.s32 $0x830, s7  }
0x1a: {  	s28 =	sor.u32 $0x400, s5;
	s29 =	sor.u32 $0x800, s5;
	s30 =	sor.u32 $0xC00, s5  }
0x1b: {  	s31 =	sor.u32 $0x1000, s5;
	s3 =	sor.u32 $0x1800, s5;
	s2 =	sor.u32 $0x2000, s5  }
0x1c: {  	s6 =	sor.u32 $0x2400, s5;
	s7 =	sor.u32 $0x2800, s5;
	s8 =	sor.u32 $0x2C00, s5  }
0x1d: {  	s9 =	sor.u32 $0x3000, s5;
	s10 =	sor.u32 $0x3400, s5;
	s11 =	sor.u32 $0x3800, s5  }
0x1e: {  	s12 =	sor.u32 $0x3C00, s5;
	s13 =	sor.u32 $0x4000, s5;
	s14 =	sor.u32 $0x4400, s5  }
0x1f: {  	s15 =	sor.u32 $0x4800, s5;
	s16 =	sor.u32 $0x4C00, s5;
	[dreg:$0x17] =	wrdreg s0  }
0x20: {  	s1 =	sadd.s32 s1, s23;
	[dreg:$0x18] =	wrdreg s26;
	s0 =	sor.u32 $0x1400, s5  }
0x21: {  	s23 =	simm.s32 $0x0;
	[dreg:$0x15] =	wrdreg s1;
	s1 =	sor.u32 $0x1C00, s5  }
.LBB2_1:
0x22: {  	s24 =	rddreg [dreg:$0x1]  }
0x23: {  	[tilespmem:s25], [sflag:$0x2] =	stream.strided.gather [hbm4b:s24+s17], $0x400, s18, s17, $0x38;
	[tilespmem:$0x1A000] =	vst v63  }
0x24: {  	s26 =	rddreg [dreg:$0x4]  }
0x25: {  	[tilespmem:s18], [sflag:$0x2] =	stream.strided.gather [hbm4b:s26+s17], $0x400, s18, s17, $0x38;
	[tilespmem:$0x1A000] =	vst v63  }
0x26: {  	s25 =	rddreg [dreg:$0x5];
	s26 =	simm.s32 $0x800  }
0x27: {  	[tilespmem:s26], [sflag:$0x2] =	stream.strided.gather [hbm4b:s25+s17], $0x400, s18, s17, $0x38;
	[tilespmem:$0x1A000] =	vst v63  }
0x28: {  	s25 =	rddreg [dreg:$0x6];
	s26 =	simm.s32 $0xC00  }
0x29: {  	[tilespmem:s26], [sflag:$0x2] =	stream.strided.gather [hbm4b:s25+s17], $0x400, s18, s17, $0x38;
	[tilespmem:$0x1A000] =	vst v63  }
0x2a: {  	s25 =	rddreg [dreg:$0x7];
	s26 =	simm.s32 $0x1000  }
0x2b: {  	[tilespmem:s26], [sflag:$0x2] =	stream.strided.gather [hbm4b:s25+s17], $0x400, s18, s17, $0x38;
	[tilespmem:$0x1A000] =	vst v63  }
0x2c: {  	s25 =	rddreg [dreg:$0x8];
	s26 =	simm.s32 $0x1400  }
0x2d: {  	[tilespmem:s26], [sflag:$0x2] =	stream.strided.gather [hbm4b:s25+s17], $0x400, s18, s17, $0x38;
	[tilespmem:$0x1A000] =	vst v63  }
0x2e: {  	s25 =	rddreg [dreg:$0x9];
	s26 =	simm.s32 $0x1800  }
0x2f: {  	[tilespmem:s26], [sflag:$0x2] =	stream.strided.gather [hbm4b:s25+s17], $0x400, s18, s17, $0x38;
	[tilespmem:$0x1A000] =	vst v63  }
0x30: {  	s25 =	rddreg [dreg:$0xa];
	s26 =	simm.s32 $0x1C00  }
0x31: {  	[tilespmem:s26], [sflag:$0x2] =	stream.strided.gather [hbm4b:s25+s17], $0x400, s18, s17, $0x38;
	[tilespmem:$0x1A000] =	vst v63  }
0x32: {  	s25 =	rddreg [dreg:$0xb];
	s26 =	simm.s32 $0x2000  }
0x33: {  	[tilespmem:s26], [sflag:$0x2] =	stream.strided.gather [hbm4b:s25+s17], $0x400, s18, s17, $0x38;
	[tilespmem:$0x1A000] =	vst v63  }
0x34: {  	s25 =	rddreg [dreg:$0xc];
	s26 =	simm.s32 $0x2400  }
0x35: {  	[tilespmem:s26], [sflag:$0x2] =	stream.strided.gather [hbm4b:s25+s17], $0x400, s18, s17, $0x38;
	[tilespmem:$0x1A000] =	vst v63  }
0x36: {  	s25 =	rddreg [dreg:$0xd];
	s26 =	simm.s32 $0x2800  }
0x37: {  	[tilespmem:s26], [sflag:$0x2] =	stream.strided.gather [hbm4b:s25+s17], $0x400, s18, s17, $0x38;
	[tilespmem:$0x1A000] =	vst v63  }
0x38: {  	s25 =	rddreg [dreg:$0xe];
	s26 =	simm.s32 $0x2C00  }
0x39: {  	[tilespmem:s26], [sflag:$0x2] =	stream.strided.gather [hbm4b:s25+s17], $0x400, s18, s17, $0x38;
	[tilespmem:$0x1A000] =	vst v63  }
0x3a: {  	s25 =	rddreg [dreg:$0xf];
	s26 =	simm.s32 $0x3000  }
0x3b: {  	[tilespmem:s26], [sflag:$0x2] =	stream.strided.gather [hbm4b:s25+s17], $0x400, s18, s17, $0x38;
	[tilespmem:$0x1A000] =	vst v63  }
0x3c: {  	s25 =	rddreg [dreg:$0x10];
	s26 =	simm.s32 $0x3400  }
0x3d: {  	[tilespmem:s26], [sflag:$0x2] =	stream.strided.gather [hbm4b:s25+s17], $0x400, s18, s17, $0x38;
	[tilespmem:$0x1A000] =	vst v63  }
0x3e: {  	s25 =	rddreg [dreg:$0x11];
	s26 =	simm.s32 $0x3800  }
0x3f: {  	[tilespmem:s26], [sflag:$0x2] =	stream.strided.gather [hbm4b:s25+s17], $0x400, s18, s17, $0x38;
	[tilespmem:$0x1A000] =	vst v63  }
0x40: {  	s25 =	rddreg [dreg:$0x12];
	s26 =	simm.s32 $0x3C00  }
0x41: {  	[tilespmem:s26], [sflag:$0x2] =	stream.strided.gather [hbm4b:s25+s17], $0x400, s18, s17, $0x38;
	[tilespmem:$0x1A000] =	vst v63  }
0x42: {  	s25 =	rddreg [dreg:$0x13];
	s26 =	simm.s32 $0x4000  }
0x43: {  	[tilespmem:s26], [sflag:$0x2] =	stream.strided.gather [hbm4b:s25+s17], $0x400, s18, s17, $0x38;
	[tilespmem:$0x1A000] =	vst v63  }
0x44: {  	s25 =	rddreg [dreg:$0x14];
	s26 =	simm.s32 $0x4400  }
0x45: {  	[tilespmem:s26], [sflag:$0x2] =	stream.strided.gather [hbm4b:s25+s17], $0x400, s18, s17, $0x38;
	[tilespmem:$0x1A000] =	vst v63  }
0x46: {  	s25 =	rddreg [dreg:$0x16];
	s26 =	simm.s32 $0x4800  }
0x47: {  	[tilespmem:s26], [sflag:$0x2] =	stream.strided.gather [hbm4b:s25+s17], $0x400, s18, s17, $0x38;
	[tilespmem:$0x1A000] =	vst v63  }
0x48: {  	s25 =	rddreg [dreg:$0x18];
	s26 =	simm.s32 $0x4C00  }
0x49: {  	[tilespmem:s26], [sflag:$0x2] =	stream.strided.gather [hbm4b:s25+s17], $0x400, s18, s17, $0x38;
	[tilespmem:$0x1A000] =	vst v63  }
0x4a: {  	_ =	swait.ge [sflag:s19], $0x400  }
0x4b: {  	[sflag:s19] =	ssyncset.done $0x0  }
0x4c: {  	[sflag:s19] =	ssyncadd.s32 $0xFFFFFC00  }
0x4d: {  	_ =	swait.ge [sflag:s19], $0x400  }
0x4e: {  	[sflag:s19] =	ssyncset.done $0x0  }
0x4f: {  	[sflag:s19] =	ssyncadd.s32 $0xFFFFFC00  }
0x50: {  	_ =	swait.ge [sflag:s19], $0x400  }
0x51: {  	[sflag:s19] =	ssyncset.done $0x0  }
0x52: {  	[sflag:s19] =	ssyncadd.s32 $0xFFFFFC00  }
0x53: {  	_ =	swait.ge [sflag:s19], $0x400  }
0x54: {  	[sflag:s19] =	ssyncset.done $0x0  }
0x55: {  	[sflag:s19] =	ssyncadd.s32 $0xFFFFFC00  }
0x56: {  	_ =	swait.ge [sflag:s19], $0x400  }
0x57: {  	[sflag:s19] =	ssyncset.done $0x0  }
0x58: {  	[sflag:s19] =	ssyncadd.s32 $0xFFFFFC00  }
0x59: {  	_ =	swait.ge [sflag:s19], $0x400  }
0x5a: {  	[sflag:s19] =	ssyncset.done $0x0  }
0x5b: {  	[sflag:s19] =	ssyncadd.s32 $0xFFFFFC00  }
0x5c: {  	_ =	swait.ge [sflag:s19], $0x400  }
0x5d: {  	[sflag:s19] =	ssyncset.done $0x0  }
0x5e: {  	[sflag:s19] =	ssyncadd.s32 $0xFFFFFC00  }
0x5f: {  	_ =	swait.ge [sflag:s19], $0x400  }
0x60: {  	[sflag:s19] =	ssyncset.done $0x0  }
0x61: {  	[sflag:s19] =	ssyncadd.s32 $0xFFFFFC00  }
0x62: {  	_ =	swait.ge [sflag:s19], $0x400  }
0x63: {  	[sflag:s19] =	ssyncset.done $0x0  }
0x64: {  	[sflag:s19] =	ssyncadd.s32 $0xFFFFFC00  }
0x65: {  	_ =	swait.ge [sflag:s19], $0x400  }
0x66: {  	[sflag:s19] =	ssyncset.done $0x0  }
0x67: {  	[sflag:s19] =	ssyncadd.s32 $0xFFFFFC00  }
0x68: {  	_ =	swait.ge [sflag:s19], $0x400  }
0x69: {  	[sflag:s19] =	ssyncset.done $0x0  }
0x6a: {  	[sflag:s19] =	ssyncadd.s32 $0xFFFFFC00  }
0x6b: {  	_ =	swait.ge [sflag:s19], $0x400  }
0x6c: {  	[sflag:s19] =	ssyncset.done $0x0  }
0x6d: {  	[sflag:s19] =	ssyncadd.s32 $0xFFFFFC00  }
0x6e: {  	_ =	swait.ge [sflag:s19], $0x400  }
0x6f: {  	[sflag:s19] =	ssyncset.done $0x0  }
0x70: {  	[sflag:s19] =	ssyncadd.s32 $0xFFFFFC00  }
0x71: {  	_ =	swait.ge [sflag:s19], $0x400  }
0x72: {  	[sflag:s19] =	ssyncset.done $0x0  }
0x73: {  	[sflag:s19] =	ssyncadd.s32 $0xFFFFFC00  }
0x74: {  	_ =	swait.ge [sflag:s19], $0x400  }
0x75: {  	[sflag:s19] =	ssyncset.done $0x0  }
0x76: {  	[sflag:s19] =	ssyncadd.s32 $0xFFFFFC00  }
0x77: {  	_ =	swait.ge [sflag:s19], $0x400  }
0x78: {  	[sflag:s19] =	ssyncset.done $0x0  }
0x79: {  	[sflag:s19] =	ssyncadd.s32 $0xFFFFFC00  }
0x7a: {  	_ =	swait.ge [sflag:s19], $0x400  }
0x7b: {  	[sflag:s19] =	ssyncset.done $0x0  }
0x7c: {  	[sflag:s19] =	ssyncadd.s32 $0xFFFFFC00  }
0x7d: {  	_ =	swait.ge [sflag:s19], $0x400  }
0x7e: {  	[sflag:s19] =	ssyncset.done $0x0  }
0x7f: {  	[sflag:s19] =	ssyncadd.s32 $0xFFFFFC00  }
0x80: {  	_ =	swait.ge [sflag:s19], $0x400  }
0x81: {  	[sflag:s19] =	ssyncset.done $0x0  }
0x82: {  	[sflag:s19] =	ssyncadd.s32 $0xFFFFFC00  }
0x83: {  	_ =	swait.ge [sflag:s19], $0x400  }
0x84: {  	[sflag:s19] =	ssyncset.done $0x0  }
0x85: {  	s25 =	simm.s32 $0x5000;
	[sflag:s19] =	ssyncadd.s32 $0xFFFFFC00  }
0x86: {  	[tilespmem:s25], [sflag:$0x1] =	stream.indirect.gather [hbm4b:s4+s20], $0x80, s5, s20, $0xb8;
	[tilespmem:$0x1A000] =	vst v63  }
0x87: {  	s26 =	simm.s32 $0x6000  }
0x88: {  	[tilespmem:s26], [sflag:$0x1] =	stream.indirect.gather [hbm4b:s4+s20], $0x80, s28, s20, $0xb8;
	[tilespmem:$0x1A000] =	vst v63  }
0x89: {  	s25 =	simm.s32 $0x7000  }
0x8a: {  	[tilespmem:s25], [sflag:$0x1] =	stream.indirect.gather [hbm4b:s4+s20], $0x80, s29, s20, $0xb8;
	[tilespmem:$0x1A000] =	vst v63  }
0x8b: {  	s26 =	simm.s32 $0x8000  }
0x8c: {  	[tilespmem:s26], [sflag:$0x1] =	stream.indirect.gather [hbm4b:s4+s20], $0x80, s30, s20, $0xb8;
	[tilespmem:$0x1A000] =	vst v63  }
0x8d: {  	s25 =	simm.s32 $0x9000  }
0x8e: {  	[tilespmem:s25], [sflag:$0x1] =	stream.indirect.gather [hbm4b:s4+s20], $0x80, s31, s20, $0xb8;
	[tilespmem:$0x1A000] =	vst v63  }
0x8f: {  	s26 =	simm.s32 $0xA000  }
0x90: {  	[tilespmem:s26], [sflag:$0x1] =	stream.indirect.gather [hbm4b:s4+s20], $0x80, s0, s20, $0xb8;
	[tilespmem:$0x1A000] =	vst v63  }
0x91: {  	s25 =	simm.s32 $0xB000  }
0x92: {  	[tilespmem:s25], [sflag:$0x1] =	stream.indirect.gather [hbm4b:s4+s20], $0x80, s3, s20, $0xb8;
	[tilespmem:$0x1A000] =	vst v63  }
0x93: {  	s26 =	simm.s32 $0xC000  }
0x94: {  	[tilespmem:s26], [sflag:$0x1] =	stream.indirect.gather [hbm4b:s4+s20], $0x80, s1, s20, $0xb8;
	[tilespmem:$0x1A000] =	vst v63  }
0x95: {  	s25 =	simm.s32 $0xD000  }
0x96: {  	[tilespmem:s25], [sflag:$0x1] =	stream.indirect.gather [hbm4b:s4+s20], $0x80, s2, s20, $0xb8;
	[tilespmem:$0x1A000] =	vst v63  }
0x97: {  	s26 =	simm.s32 $0xE000  }
0x98: {  	[tilespmem:s26], [sflag:$0x1] =	stream.indirect.gather [hbm4b:s4+s20], $0x80, s6, s20, $0xb8;
	[tilespmem:$0x1A000] =	vst v63  }
0x99: {  	s25 =	simm.s32 $0xF000  }
0x9a: {  	[tilespmem:s25], [sflag:$0x1] =	stream.indirect.gather [hbm4b:s4+s20], $0x80, s7, s20, $0xb8;
	[tilespmem:$0x1A000] =	vst v63  }
0x9b: {  	s26 =	simm.s32 $0x10000  }
0x9c: {  	[tilespmem:s26], [sflag:$0x1] =	stream.indirect.gather [hbm4b:s4+s20], $0x80, s8, s20, $0xb8;
	[tilespmem:$0x1A000] =	vst v63  }
0x9d: {  	s25 =	simm.s32 $0x11000  }
0x9e: {  	[tilespmem:s25], [sflag:$0x1] =	stream.indirect.gather [hbm4b:s4+s20], $0x80, s9, s20, $0xb8;
	[tilespmem:$0x1A000] =	vst v63  }
0x9f: {  	s26 =	simm.s32 $0x12000  }
0xa0: {  	[tilespmem:s26], [sflag:$0x1] =	stream.indirect.gather [hbm4b:s4+s20], $0x80, s10, s20, $0xb8;
	[tilespmem:$0x1A000] =	vst v63  }
0xa1: {  	s25 =	simm.s32 $0x13000  }
0xa2: {  	[tilespmem:s25], [sflag:$0x1] =	stream.indirect.gather [hbm4b:s4+s20], $0x80, s11, s20, $0xb8;
	[tilespmem:$0x1A000] =	vst v63  }
0xa3: {  	s26 =	simm.s32 $0x14000  }
0xa4: {  	[tilespmem:s26], [sflag:$0x1] =	stream.indirect.gather [hbm4b:s4+s20], $0x80, s12, s20, $0xb8;
	[tilespmem:$0x1A000] =	vst v63  }
0xa5: {  	s25 =	simm.s32 $0x15000  }
0xa6: {  	[tilespmem:s25], [sflag:$0x1] =	stream.indirect.gather [hbm4b:s4+s20], $0x80, s13, s20, $0xb8;
	[tilespmem:$0x1A000] =	vst v63  }
0xa7: {  	s26 =	simm.s32 $0x16000  }
0xa8: {  	[tilespmem:s26], [sflag:$0x1] =	stream.indirect.gather [hbm4b:s4+s20], $0x80, s14, s20, $0xb8;
	[tilespmem:$0x1A000] =	vst v63  }
0xa9: {  	s25 =	simm.s32 $0x17000  }
0xaa: {  	[tilespmem:s25], [sflag:$0x1] =	stream.indirect.gather [hbm4b:s4+s20], $0x80, s15, s20, $0xb8;
	[tilespmem:$0x1A000] =	vst v63  }
0xab: {  	s26 =	simm.s32 $0x18000  }
0xac: {  	[tilespmem:s26], [sflag:$0x1] =	stream.indirect.gather [hbm4b:s4+s20], $0x80, s16, s20, $0xb8;
	[tilespmem:$0x1A000] =	vst v63  }
0xad: {  	_ =	swait.ge [sflag:s21], $0x1000  }
0xae: {  	[sflag:s21] =	ssyncset.done $0x0  }
0xaf: {  	[sflag:s21] =	ssyncadd.s32 $0xFFFFF000  }
0xb0: {  	_ =	swait.ge [sflag:s21], $0x1000  }
0xb1: {  	[sflag:s21] =	ssyncset.done $0x0  }
0xb2: {  	[sflag:s21] =	ssyncadd.s32 $0xFFFFF000  }
0xb3: {  	_ =	swait.ge [sflag:s21], $0x1000  }
0xb4: {  	[sflag:s21] =	ssyncset.done $0x0  }
0xb5: {  	[sflag:s21] =	ssyncadd.s32 $0xFFFFF000  }
0xb6: {  	_ =	swait.ge [sflag:s21], $0x1000  }
0xb7: {  	[sflag:s21] =	ssyncset.done $0x0  }
0xb8: {  	[sflag:s21] =	ssyncadd.s32 $0xFFFFF000  }
0xb9: {  	_ =	swait.ge [sflag:s21], $0x1000  }
0xba: {  	[sflag:s21] =	ssyncset.done $0x0  }
0xbb: {  	[sflag:s21] =	ssyncadd.s32 $0xFFFFF000  }
0xbc: {  	_ =	swait.ge [sflag:s21], $0x1000  }
0xbd: {  	[sflag:s21] =	ssyncset.done $0x0  }
0xbe: {  	[sflag:s21] =	ssyncadd.s32 $0xFFFFF000  }
0xbf: {  	_ =	swait.ge [sflag:s21], $0x1000  }
0xc0: {  	[sflag:s21] =	ssyncset.done $0x0  }
0xc1: {  	[sflag:s21] =	ssyncadd.s32 $0xFFFFF000  }
0xc2: {  	_ =	swait.ge [sflag:s21], $0x1000  }
0xc3: {  	[sflag:s21] =	ssyncset.done $0x0  }
0xc4: {  	[sflag:s21] =	ssyncadd.s32 $0xFFFFF000  }
0xc5: {  	_ =	swait.ge [sflag:s21], $0x1000  }
0xc6: {  	[sflag:s21] =	ssyncset.done $0x0  }
0xc7: {  	[sflag:s21] =	ssyncadd.s32 $0xFFFFF000  }
0xc8: {  	_ =	swait.ge [sflag:s21], $0x1000  }
0xc9: {  	[sflag:s21] =	ssyncset.done $0x0  }
0xca: {  	[sflag:s21] =	ssyncadd.s32 $0xFFFFF000  }
0xcb: {  	_ =	swait.ge [sflag:s21], $0x1000  }
0xcc: {  	[sflag:s21] =	ssyncset.done $0x0  }
0xcd: {  	[sflag:s21] =	ssyncadd.s32 $0xFFFFF000  }
0xce: {  	_ =	swait.ge [sflag:s21], $0x1000  }
0xcf: {  	[sflag:s21] =	ssyncset.done $0x0  }
0xd0: {  	[sflag:s21] =	ssyncadd.s32 $0xFFFFF000  }
0xd1: {  	_ =	swait.ge [sflag:s21], $0x1000  }
0xd2: {  	[sflag:s21] =	ssyncset.done $0x0  }
0xd3: {  	[sflag:s21] =	ssyncadd.s32 $0xFFFFF000  }
0xd4: {  	_ =	swait.ge [sflag:s21], $0x1000  }
0xd5: {  	[sflag:s21] =	ssyncset.done $0x0  }
0xd6: {  	[sflag:s21] =	ssyncadd.s32 $0xFFFFF000  }
0xd7: {  	_ =	swait.ge [sflag:s21], $0x1000  }
0xd8: {  	[sflag:s21] =	ssyncset.done $0x0  }
0xd9: {  	[sflag:s21] =	ssyncadd.s32 $0xFFFFF000  }
0xda: {  	_ =	swait.ge [sflag:s21], $0x1000  }
0xdb: {  	[sflag:s21] =	ssyncset.done $0x0  }
0xdc: {  	[sflag:s21] =	ssyncadd.s32 $0xFFFFF000  }
0xdd: {  	_ =	swait.ge [sflag:s21], $0x1000  }
0xde: {  	[sflag:s21] =	ssyncset.done $0x0  }
0xdf: {  	[sflag:s21] =	ssyncadd.s32 $0xFFFFF000  }
0xe0: {  	_ =	swait.ge [sflag:s21], $0x1000  }
0xe1: {  	[sflag:s21] =	ssyncset.done $0x0  }
0xe2: {  	[sflag:s21] =	ssyncadd.s32 $0xFFFFF000  }
0xe3: {  	_ =	swait.ge [sflag:s21], $0x1000  }
0xe4: {  	[sflag:s21] =	ssyncset.done $0x0  }
0xe5: {  	[sflag:s21] =	ssyncadd.s32 $0xFFFFF000  }
0xe6: {  	_ =	swait.ge [sflag:s21], $0x1000  }
0xe7: {  	[sflag:s21] =	ssyncset.done $0x0  }
0xe8: {  	s24 =	simm.s32 $0x0;
	[sflag:s21] =	ssyncadd.s32 $0xFFFFF000  }
0xe9: {  	v0 =	vld [tilespmem:s24+$0x5010]  }
0xea: {  	v1 =	vld [tilespmem:s24+$0x6010]  }
0xeb: {  	v2 =	vld [tilespmem:s24+$0x5000]  }
0xec: {  	v3 =	vld [tilespmem:s24+$0x7010]  }
0xed: {  	v4 =	vld [tilespmem:s24+$0x6000]  }
0xee: {  	v5 =	vld [tilespmem:s24+$0x8010]  }
0xef: {  	v0 =	vadd.f32 v1, v0;
	v1 =	vld [tilespmem:s24+$0x7000]  }
0xf0: {  	v6 =	vld [tilespmem:s24+$0x9010]  }
0xf1: {  	v0 =	vadd.f32 v3, v0;
	v3 =	vld [tilespmem:s24+$0x8000]  }
0xf2: {  	v7 =	vld [tilespmem:s24+$0xA010];
	v2 =	vadd.f32 v4, v2  }
0xf3: {  	v4 =	vld [tilespmem:s24+$0x9000];
	v0 =	vadd.f32 v5, v0  }
0xf4: {  	v5 =	vld [tilespmem:s24+$0xB010];
	v1 =	vadd.f32 v1, v2  }
0xf5: {  	v2 =	vld [tilespmem:s24+$0xA000];
	v0 =	vadd.f32 v6, v0  }
0xf6: {  	v6 =	vld [tilespmem:s24+$0xC010];
	v1 =	vadd.f32 v3, v1  }
0xf7: {  	v3 =	vld [tilespmem:s24+$0xB000];
	v0 =	vadd.f32 v7, v0  }
0xf8: {  	v7 =	vld [tilespmem:s24+$0xD010];
	v1 =	vadd.f32 v4, v1  }
0xf9: {  	v4 =	vld [tilespmem:s24+$0xC000];
	v0 =	vadd.f32 v5, v0  }
0xfa: {  	v5 =	vld [tilespmem:s24+$0xE010];
	v1 =	vadd.f32 v2, v1  }
0xfb: {  	v2 =	vld [tilespmem:s24+$0xD000];
	v0 =	vadd.f32 v6, v0  }
0xfc: {  	v6 =	vld [tilespmem:s24+$0xF010];
	v1 =	vadd.f32 v3, v1  }
0xfd: {  	v3 =	vld [tilespmem:s24+$0xE000];
	v0 =	vadd.f32 v7, v0  }
0xfe: {  	v7 =	vld [tilespmem:s24+$0x10010];
	v1 =	vadd.f32 v4, v1  }
0xff: {  	v4 =	vld [tilespmem:s24+$0xF000];
	v0 =	vadd.f32 v5, v0  }
0x100: {  	v5 =	vld [tilespmem:s24+$0x11010];
	v1 =	vadd.f32 v2, v1  }
0x101: {  	v2 =	vld [tilespmem:s24+$0x10000];
	v0 =	vadd.f32 v6, v0  }
0x102: {  	v6 =	vld [tilespmem:s24+$0x12010];
	v1 =	vadd.f32 v3, v1  }
0x103: {  	v3 =	vld [tilespmem:s24+$0x11000];
	v0 =	vadd.f32 v7, v0  }
0x104: {  	v7 =	vld [tilespmem:s24+$0x13010];
	v1 =	vadd.f32 v4, v1  }
0x105: {  	v4 =	vld [tilespmem:s24+$0x12000];
	v0 =	vadd.f32 v5, v0  }
0x106: {  	v5 =	vld [tilespmem:s24+$0x14010];
	v1 =	vadd.f32 v2, v1  }
0x107: {  	v2 =	vld [tilespmem:s24+$0x13000];
	v0 =	vadd.f32 v6, v0  }
0x108: {  	v6 =	vld [tilespmem:s24+$0x15010];
	v1 =	vadd.f32 v3, v1  }
0x109: {  	v0 =	vadd.f32 v7, v0;
	v7 =	vld [tilespmem:s24+$0x14000]  }
0x10a: {  	v8 =	vld [tilespmem:s24+$0x16010];
	v1 =	vadd.f32 v4, v1  }
0x10b: {  	v0 =	vadd.f32 v5, v0;
	v5 =	vld [tilespmem:s24+$0x15000]  }
0x10c: {  	v9 =	vld [tilespmem:s24+$0x17010];
	v1 =	vadd.f32 v2, v1  }
0x10d: {  	v2 =	vld [tilespmem:s24+$0x16000];
	v0 =	vadd.f32 v6, v0  }
0x10e: {  	v3 =	vld [tilespmem:s24+$0x18010];
	v6 =	vadd.f32 v7, v1  }
0x10f: {  	v4 =	vld [tilespmem:s24+$0x17000];
	v7 =	vadd.f32 v8, v0  }
0x110: {  	s25 =	simm.s32 $0x80;
	v1 =	vld [tilespmem:s24+$0x18000];
	v5 =	vadd.f32 v5, v6  }
0x111: {  	s26 =	simm.s32 $0x400;
	v0 =	vld [tilespmem:s25+$0x5010];
	v6 =	vadd.f32 v9, v7  }
.LBB2_2:
0x112: {  	p0 =	sne.s32 s26, $0x3E00;
	v7 =	vld [tilespmem:s25+$0x6010];
	v2 =	vadd.f32 v2, v5  }
0x113: {  	v5 =	vld [tilespmem:s25+$0x5000];
	v3 =	vadd.f32 v3, v6  }
0x114: {  	v6 =	vld [tilespmem:s25+$0x7010];
	v2 =	vadd.f32 v4, v2  }
0x115: {  	v4 =	vld [tilespmem:s25+$0x6000];
	v3 =	vmul.f32 $5.000000070e-02, v3  }
0x116: {  	v8 =	vld [tilespmem:s25+$0x8010];
	v1 =	vadd.f32 v1, v2  }
0x117: {  	v0 =	vadd.f32 v7, v0;
	v2 =	vld [tilespmem:s25+$0x7000];
	[tilespmem:s24+$0x19010] =	vst v3  }
0x118: {  	v3 =	vld [tilespmem:s25+$0x9010];
	v1 =	vmul.f32 $5.000000070e-02, v1  }
0x119: {  	v0 =	vadd.f32 v6, v0;
	v6 =	vld [tilespmem:s25+$0x8000]  }
0x11a: {  	v4 =	vadd.f32 v4, v5;
	v5 =	vld [tilespmem:s25+$0xA010];
	[tilespmem:s24+$0x19000] =	vst v1;
	s24 =	smov.u32 s25  }
0x11b: {  	v0 =	vadd.f32 v8, v0;
	v1 =	vld [tilespmem:s24+$0x9000]  }
0x11c: {  	v2 =	vadd.f32 v2, v4;
	v4 =	vld [tilespmem:s24+$0xB010]  }
0x11d: {  	v0 =	vadd.f32 v3, v0;
	v3 =	vld [tilespmem:s24+$0xA000]  }
0x11e: {  	v2 =	vadd.f32 v6, v2;
	v6 =	vld [tilespmem:s24+$0xC010]  }
0x11f: {  	v0 =	vadd.f32 v5, v0;
	v5 =	vld [tilespmem:s24+$0xB000]  }
0x120: {  	v1 =	vadd.f32 v1, v2;
	v2 =	vld [tilespmem:s24+$0xD010]  }
0x121: {  	v0 =	vadd.f32 v4, v0;
	v4 =	vld [tilespmem:s24+$0xC000]  }
0x122: {  	v1 =	vadd.f32 v3, v1;
	v3 =	vld [tilespmem:s24+$0xE010]  }
0x123: {  	v0 =	vadd.f32 v6, v0;
	v6 =	vld [tilespmem:s24+$0xD000]  }
0x124: {  	v1 =	vadd.f32 v5, v1;
	v5 =	vld [tilespmem:s24+$0xF010]  }
0x125: {  	v0 =	vadd.f32 v2, v0;
	v2 =	vld [tilespmem:s24+$0xE000]  }
0x126: {  	v1 =	vadd.f32 v4, v1;
	v4 =	vld [tilespmem:s24+$0x10010]  }
0x127: {  	v0 =	vadd.f32 v3, v0;
	v3 =	vld [tilespmem:s24+$0xF000]  }
0x128: {  	v1 =	vadd.f32 v6, v1;
	v6 =	vld [tilespmem:s24+$0x11010]  }
0x129: {  	v0 =	vadd.f32 v5, v0;
	v5 =	vld [tilespmem:s24+$0x10000]  }
0x12a: {  	v1 =	vadd.f32 v2, v1;
	v2 =	vld [tilespmem:s24+$0x12010]  }
0x12b: {  	v0 =	vadd.f32 v4, v0;
	v4 =	vld [tilespmem:s24+$0x11000]  }
0x12c: {  	v1 =	vadd.f32 v3, v1;
	v3 =	vld [tilespmem:s24+$0x13010]  }
0x12d: {  	v0 =	vadd.f32 v6, v0;
	v6 =	vld [tilespmem:s24+$0x12000]  }
0x12e: {  	v1 =	vadd.f32 v5, v1;
	v5 =	vld [tilespmem:s24+$0x14010]  }
0x12f: {  	v0 =	vadd.f32 v2, v0;
	v2 =	vld [tilespmem:s24+$0x13000]  }
0x130: {  	v1 =	vadd.f32 v4, v1;
	v4 =	vld [tilespmem:s24+$0x15010]  }
0x131: {  	v0 =	vadd.f32 v3, v0;
	v3 =	vld [tilespmem:s24+$0x14000]  }
0x132: {  	v1 =	vadd.f32 v6, v1;
	v6 =	vld [tilespmem:s24+$0x16010]  }
0x133: {  	v0 =	vadd.f32 v5, v0;
	v5 =	vld [tilespmem:s24+$0x15000]  }
0x134: {  	v1 =	vadd.f32 v2, v1;
	v7 =	vld [tilespmem:s24+$0x17010]  }
.Ltmp0:
0x135: {  	v0 =	vadd.f32 v4, v0;
	v2 =	vld [tilespmem:s24+$0x16000];
	(pc) =	sbr.rel @p0 .LBB2_2-.Ltmp0, $4  }
0x136: {  	v1 =	vadd.f32 v3, v1;
	v3 =	vld [tilespmem:s24+$0x18010]  }
0x137: {  	v6 =	vadd.f32 v6, v0;
	v4 =	vld [tilespmem:s24+$0x17000]  }
0x138: {  	s25 =	sshra.s32 s26, $0x2;
	v5 =	vadd.f32 v5, v1;
	v1 =	vld [tilespmem:s24+$0x18000]  }
0x139: {  	s26 =	sadd.s32 $0x200, s26;
	v0 =	vld [tilespmem:s25+$0x5010];
	v6 =	vadd.f32 v7, v6  }
0x13a: {  	v7 =	vld [tilespmem:s25+$0x6010];
	v2 =	vadd.f32 v2, v5  }
0x13b: {  	v8 =	vld [tilespmem:s25+$0x5000];
	v3 =	vadd.f32 v3, v6  }
0x13c: {  	v29 =	vld [tilespmem:s25+$0x7010];
	v2 =	vadd.f32 v4, v2  }
0x13d: {  	v30 =	vld [tilespmem:s25+$0x6000];
	v3 =	vmul.f32 $5.000000070e-02, v3  }
0x13e: {  	v31 =	vld [tilespmem:s25+$0x8010];
	v1 =	vadd.f32 v1, v2  }
0x13f: {  	v9 =	vld [tilespmem:s25+$0x7000];
	[tilespmem:s24+$0x19010] =	vst v3  }
0x140: {  	v32 =	vld [tilespmem:s25+$0x9010];
	v1 =	vmul.f32 $5.000000070e-02, v1  }
0x141: {  	v0 =	vadd.f32 v7, v0;
	v3 =	vld [tilespmem:s25+$0x8000]  }
0x142: {  	v6 =	vadd.f32 v30, v8;
	v33 =	vld [tilespmem:s25+$0xA010];
	[tilespmem:s24+$0x19000] =	vst v1  }
0x143: {  	v0 =	vadd.f32 v29, v0;
	v1 =	vld [tilespmem:s25+$0x9000]  }
0x144: {  	v34 =	vadd.f32 v9, v6  }
0x145: {  	v0 =	vadd.f32 v31, v0;
	v35 =	vld [tilespmem:s25+$0xA000]  }
0x146: {  	v36 =	vld [tilespmem:s25+$0xB010];
	v3 =	vadd.f32 v3, v34  }
0x147: {  	v37 =	vld [tilespmem:s25+$0xB000];
	v0 =	vadd.f32 v32, v0  }
0x148: {  	v38 =	vld [tilespmem:s25+$0xC010];
	v1 =	vadd.f32 v1, v3  }
0x149: {  	v39 =	vld [tilespmem:s25+$0xC000];
	v0 =	vadd.f32 v33, v0  }
0x14a: {  	v40 =	vld [tilespmem:s25+$0xD010];
	v1 =	vadd.f32 v35, v1  }
0x14b: {  	v41 =	vld [tilespmem:s25+$0xD000];
	v0 =	vadd.f32 v36, v0  }
0x14c: {  	v42 =	vld [tilespmem:s25+$0xE010];
	v1 =	vadd.f32 v37, v1  }
0x14d: {  	v43 =	vld [tilespmem:s25+$0xE000];
	v0 =	vadd.f32 v38, v0  }
0x14e: {  	v44 =	vld [tilespmem:s25+$0xF010];
	v1 =	vadd.f32 v39, v1  }
0x14f: {  	v45 =	vld [tilespmem:s25+$0xF000];
	v0 =	vadd.f32 v40, v0  }
0x150: {  	v46 =	vld [tilespmem:s25+$0x10010];
	v1 =	vadd.f32 v41, v1  }
0x151: {  	v47 =	vld [tilespmem:s25+$0x10000];
	v0 =	vadd.f32 v42, v0  }
0x152: {  	v48 =	vld [tilespmem:s25+$0x11010];
	v1 =	vadd.f32 v43, v1  }
0x153: {  	v49 =	vld [tilespmem:s25+$0x11000];
	v0 =	vadd.f32 v44, v0  }
0x154: {  	v50 =	vld [tilespmem:s25+$0x12010];
	v1 =	vadd.f32 v45, v1  }
0x155: {  	v51 =	vld [tilespmem:s25+$0x12000];
	v0 =	vadd.f32 v46, v0  }
0x156: {  	v52 =	vld [tilespmem:s25+$0x13010];
	v1 =	vadd.f32 v47, v1  }
0x157: {  	v53 =	vld [tilespmem:s25+$0x13000];
	v0 =	vadd.f32 v48, v0  }
0x158: {  	v54 =	vld [tilespmem:s25+$0x14010];
	v1 =	vadd.f32 v49, v1  }
0x159: {  	v55 =	vld [tilespmem:s25+$0x14000];
	v0 =	vadd.f32 v50, v0  }
0x15a: {  	v56 =	vld [tilespmem:s25+$0x15010];
	v1 =	vadd.f32 v51, v1  }
0x15b: {  	v57 =	vld [tilespmem:s25+$0x15000];
	v0 =	vadd.f32 v52, v0  }
0x15c: {  	v58 =	vld [tilespmem:s25+$0x16010];
	v1 =	vadd.f32 v53, v1  }
0x15d: {  	v59 =	vld [tilespmem:s25+$0x16000];
	v0 =	vadd.f32 v54, v0  }
0x15e: {  	v60 =	vld [tilespmem:s25+$0x17010];
	v1 =	vadd.f32 v55, v1  }
0x15f: {  	v61 =	vld [tilespmem:s25+$0x17000];
	v0 =	vadd.f32 v56, v0  }
0x160: {  	v62 =	vld [tilespmem:s25+$0x18010];
	v1 =	vadd.f32 v57, v1  }
0x161: {  	v63 =	vld [tilespmem:s25+$0x18000];
	v0 =	vadd.f32 v58, v0  }
0x162: {  	v1 =	vadd.f32 v59, v1  }
0x163: {  	v0 =	vadd.f32 v60, v0  }
0x164: {  	v1 =	vadd.f32 v61, v1  }
0x165: {  	v0 =	vadd.f32 v62, v0  }
0x166: {  	v1 =	vadd.f32 v63, v1  }
0x167: {  	v0 =	vmul.f32 $5.000000070e-02, v0  }
0x168: {  	v1 =	vmul.f32 $5.000000070e-02, v1  }
0x169: {  	[tilespmem:s25+$0x19010] =	vst v0  }
0x16a: {  	s26 =	simm.s32 $0x19000;
	s24 =	rddreg [dreg:$0x15];
	[tilespmem:s25+$0x19000] =	vst v1;
	s25 =	simm.s32 $0x0  }
0x16b: {  	[hbm4b:s24+s25] =	stream.linear.scatter [tilespmem:s26], [sflag:$0x3], $0x1000, $0x38;
	[tilespmem:$0x1A000] =	vst v63  }
0x16c: {  	_ =	swait.ge [sflag:s22], $0x1000  }
0x16d: {  	s23 =	sadd.s32 $0x1, s23;
	s26 =	rddreg [dreg:$0x17]  }
0x16e: {  	p0 =	sne.s32 s23, s26  }
.Ltmp1:
0x16f: {  	_ = 	snop;
	(pc) =	sbr.rel @p0 .LBB2_1-.Ltmp1, $3  }
0x170: {  	_ =	sdelay $0x1  }
0x171: {  	[sflag:s22] =	ssyncset.done $0x0  }
0x172: {  	[sflag:s22] =	ssyncadd.s32 $0xFFFFF000  }
0x173: {  	_ =	sfence.sel $0x180000  }
0x174: {  	[bflag:$0x0] =	sbarrier.arrive $0xFFFF  }
0x175: {  	_ =	strace $0x90000047  }
0x176: {  	s0 =	stileid.u32;
	[bflag:$0x2] =	sbarrier.arrive $0xFFFF  }
0x177: {  	p0 =	sne.s32 s0, $0x0;
	s0 =	rddreg [dreg:$0x3]  }
0x178: {  	s0 =	sadd.s32 @!p0 $0x100000, s0  }
0x179: {  	[sflag:s0] =	ssyncadd.tile.s32 @!p0 $0x1;
	_ =	shalt  }
.Lfunc_end2:
_tile_overlayer_lowered:
.L_overlay_start_2:
0x17a: {  	(tag) =	ssettag $0x2  }
0x17b: {  	s0 =	rddreg [dreg:$0x0];
	s2 =	stileid.u32  }
0x17c: {  	s1 =	rddreg [dreg:$0x1];
	p0 =	sne.s32 s2, $0x0  }
0x17d: {  	s3 =	rddreg [dreg:$0x2];
	[bflag:$0x3] =	sbarrier.arrive $0xFFFF;
	s2 =	simm.s32 @!p0 $0x1C03  }
0x17e: {  	[timem:s3], [sflag:s2] =	dma.local @!p0 [hbm:s0], s1  }
0x17f: {  	s0 =	simm.s32 @!p0 $0x3  }
0x180: {  	_ =	swait.ge @!p0 [sflag:s0], s1  }
0x181: {  	s1 =	ssub.s32 @!p0 $0x0, s1;
	[sflag:s0] =	ssyncset.done @!p0 $0x0  }
0x182: {  	[sflag:s0] =	ssyncadd.s32 @!p0 s1  }
0x183: {  	[bflag:$0x3] =	sbarrier.arrive $0xFFFF  }
0x184: {  	_ =	shalt  }

</sc_bundles>
